<compile_context>
chip_gen: v7x
topology: tpu7x:2x2x1
jax: 0.10.2.dev20260603
libtpu: 0.0.44.dev20260713+nightly
codegen_flags: <defaults>
</compile_context>

<pallas_src>
import functools

import jax
import jax.numpy as jnp
from jax import lax
from jax.experimental import pallas as pl
from jax.experimental.pallas import tpu as pltpu
from jax.experimental.pallas import tpu_sc as plsc

N = 10000
NP = 10240
E = 320000
F1 = 128
F2 = 16
NC = 2
NS = 16
NW = NC * NS
K = 128
KG = 1
GSZ = KG * K
EPW = 10240
EP = NW * EPW
NG = EPW // GSZ
DKG = 16
DGSZ = DKG * K
NGD = EPW // DGSZ
RPT = NP // NS

_MESH = plsc.VectorSubcoreMesh(
    core_axis_name="c", subcore_axis_name="s", num_cores=NC, num_subcores=NS)


@functools.partial(
    pl.kernel,
    out_type=jax.ShapeDtypeStruct((NC, NP), jnp.float32),
    mesh=_MESH,
    scratch_types=[
        pltpu.VMEM((3 * DGSZ,), jnp.int32),
        pltpu.VMEM((K,), jnp.float32),
        pltpu.SemaphoreType.DMA,
        pltpu.SemaphoreType.DMA,
        pltpu.VMEM_SHARED((NP,), jnp.float32),
    ],
)
def _deg_sc(dst_ref, zeros_ref, ones_ref, out_ref, dbuf, ones_v, isem, ssem,
            acc):
    c = lax.axis_index("c")
    s = lax.axis_index("s")
    wid = c * NS + s
    pltpu.sync_copy(ones_ref, ones_v)
    pltpu.sync_copy(zeros_ref.at[pl.ds(s * RPT, RPT)],
                    acc.at[pl.ds(s * RPT, RPT)])
    plsc.subcore_barrier()

    def idx_issue(g):
        t = pl.multiple_of(lax.rem(g, 3) * DGSZ, DGSZ)
        base = pl.multiple_of(wid * EPW + g * DGSZ, DGSZ)
        pltpu.async_copy(dst_ref.at[pl.ds(base, DGSZ)],
                         dbuf.at[pl.ds(t, DGSZ)], isem)

    def idx_wait(g):
        t = pl.multiple_of(lax.rem(g, 3) * DGSZ, DGSZ)
        base = pl.multiple_of(wid * EPW + g * DGSZ, DGSZ)
        pltpu.make_async_copy(dst_ref.at[pl.ds(base, DGSZ)],
                              dbuf.at[pl.ds(t, DGSZ)], isem).wait()

    def scatter(g, issue):
        t = pl.multiple_of(lax.rem(g, 3) * DGSZ, DGSZ)
        for b in range(DKG):
            if issue:
                pltpu.async_copy(ones_v,
                                 acc.at[dbuf.at[pl.ds(t + b * K, K)]], ssem,
                                 add=True)
            else:
                pltpu.make_async_copy(ones_v,
                                      acc.at[dbuf.at[pl.ds(t + b * K, K)]],
                                      ssem).wait()

    idx_issue(0)
    idx_issue(1)
    idx_wait(0)

    def body(g, carry):
        @pl.when(g > 0)
        def _():
            scatter(g - 1, issue=False)

        @pl.when(g + 1 < NGD)
        def _():
            idx_wait(g + 1)

        @pl.when(g + 2 < NGD)
        def _():
            idx_issue(g + 2)

        scatter(g, issue=True)
        return carry

    lax.fori_loop(0, NGD, body, 0)
    scatter(NGD - 1, issue=False)
    plsc.subcore_barrier()
    pltpu.sync_copy(acc.at[pl.ds(s * RPT, RPT)],
                    out_ref.at[c, pl.ds(s * RPT, RPT)])


@functools.partial(
    pl.kernel,
    out_type=jax.ShapeDtypeStruct((NC, NP, F1), jnp.float32),
    mesh=_MESH,
    scratch_types=[
        pltpu.VMEM((3 * GSZ,), jnp.int32),
        pltpu.VMEM((3 * GSZ,), jnp.int32),
        pltpu.VMEM((2, KG, K, F1), jnp.float32),
        pltpu.SemaphoreType.DMA,
        pltpu.SemaphoreType.DMA,
        pltpu.SemaphoreType.DMA,
        pltpu.VMEM_SHARED((NP, F1), jnp.float32),
    ],
)
def _row_scatter(hp_ref, src_ref, dst_ref, zeros_ref, out_ref,
                 sbuf, dbuf, rows, isem, gsem, ssem, acc):
    c = lax.axis_index("c")
    s = lax.axis_index("s")
    wid = c * NS + s

    def idx_issue(g):
        t = pl.multiple_of(lax.rem(g, 3) * GSZ, GSZ)
        base = pl.multiple_of(wid * EPW + g * GSZ, GSZ)
        pltpu.async_copy(src_ref.at[pl.ds(base, GSZ)],
                         sbuf.at[pl.ds(t, GSZ)], isem)
        pltpu.async_copy(dst_ref.at[pl.ds(base, GSZ)],
                         dbuf.at[pl.ds(t, GSZ)], isem)

    def idx_wait(g):
        t = pl.multiple_of(lax.rem(g, 3) * GSZ, GSZ)
        base = pl.multiple_of(wid * EPW + g * GSZ, GSZ)
        pltpu.make_async_copy(src_ref.at[pl.ds(base, GSZ)],
                              sbuf.at[pl.ds(t, GSZ)], isem).wait()
        pltpu.make_async_copy(dst_ref.at[pl.ds(base, GSZ)],
                              dbuf.at[pl.ds(t, GSZ)], isem).wait()

    def gather_issue(g):
        t = pl.multiple_of(lax.rem(g, 3) * GSZ, GSZ)
        r = lax.rem(g, 2)
        for b in range(KG):
            pltpu.async_copy(hp_ref.at[sbuf.at[pl.ds(t + b * K, K)]],
                             rows.at[r, b], gsem)

    def gather_wait(g):
        t = pl.multiple_of(lax.rem(g, 3) * GSZ, GSZ)
        r = lax.rem(g, 2)
        for b in range(KG):
            pltpu.make_async_copy(hp_ref.at[sbuf.at[pl.ds(t + b * K, K)]],
                                  rows.at[r, b], gsem).wait()

    def scatter_issue(g):
        t = pl.multiple_of(lax.rem(g, 3) * GSZ, GSZ)
        r = lax.rem(g, 2)
        for b in range(KG):
            pltpu.async_copy(rows.at[r, b],
                             acc.at[dbuf.at[pl.ds(t + b * K, K)]], ssem,
                             add=True)

    def scatter_wait(g):
        t = pl.multiple_of(lax.rem(g, 3) * GSZ, GSZ)
        r = lax.rem(g, 2)
        for b in range(KG):
            pltpu.make_async_copy(rows.at[r, b],
                                  acc.at[dbuf.at[pl.ds(t + b * K, K)]],
                                  ssem).wait()

    idx_issue(0)
    idx_issue(1)
    @pl.when(c == 0)
    def _():
        pltpu.sync_copy(hp_ref.at[pl.ds(s * RPT, RPT)],
                        acc.at[pl.ds(s * RPT, RPT)])

    @pl.when(c == 1)
    def _():
        pltpu.sync_copy(zeros_ref, acc.at[pl.ds(s * RPT, RPT)])

    idx_wait(0)
    gather_issue(0)
    plsc.subcore_barrier()

    def body(g, carry):
        @pl.when(g > 0)
        def _():
            scatter_wait(g - 1)

        @pl.when(g + 1 < NG)
        def _():
            idx_wait(g + 1)
            gather_issue(g + 1)

        gather_wait(g)

        @pl.when(g + 2 < NG)
        def _():
            idx_issue(g + 2)

        scatter_issue(g)
        return carry

    lax.fori_loop(0, NG, body, 0)
    scatter_wait(NG - 1)
    plsc.subcore_barrier()
    pltpu.sync_copy(acc.at[pl.ds(s * RPT, RPT)],
                    out_ref.at[c, pl.ds(s * RPT, RPT)])


_RB = 2048


def _stage1_body(deg_ref, x_ref, w1_ref, dinv_ref, h1p_ref):
    deg = deg_ref[0, :] + deg_ref[1, :] + 1.0
    dinv = lax.rsqrt(deg)
    dinv_ref[...] = dinv[:, None]
    h = jnp.dot(x_ref[...], w1_ref[...], preferred_element_type=jnp.float32)
    h1p_ref[...] = h * dinv[:, None]


def _stage1(deg2, x_pad, W1):
    return pl.pallas_call(
        _stage1_body,
        grid=(NP // _RB,),
        in_specs=[
            pl.BlockSpec((2, _RB), lambda i: (0, i)),
            pl.BlockSpec((_RB, F1), lambda i: (i, 0)),
            pl.BlockSpec((F1, F1), lambda i: (0, 0)),
        ],
        out_specs=[
            pl.BlockSpec((_RB, 1), lambda i: (i, 0)),
            pl.BlockSpec((_RB, F1), lambda i: (i, 0)),
        ],
        out_shape=[
            jax.ShapeDtypeStruct((NP, 1), jnp.float32),
            jax.ShapeDtypeStruct((NP, F1), jnp.float32),
        ],
    )(deg2, x_pad, W1)


def _stage2_body(s1_ref, dinv_ref, b1_ref, g2_ref):
    t = s1_ref[0] + s1_ref[1]
    dinv = dinv_ref[...]
    out1 = jnp.maximum(dinv * t + b1_ref[...][None, :], 0.0)
    g2_ref[...] = out1 * dinv


def _stage2(s1, dinv, b1):
    return pl.pallas_call(
        _stage2_body,
        grid=(NP // _RB,),
        in_specs=[
            pl.BlockSpec((2, _RB, F1), lambda i: (0, i, 0)),
            pl.BlockSpec((_RB, 1), lambda i: (i, 0)),
            pl.BlockSpec((F1,), lambda i: (0,)),
        ],
        out_specs=pl.BlockSpec((_RB, F1), lambda i: (i, 0)),
        out_shape=jax.ShapeDtypeStruct((NP, F1), jnp.float32),
    )(s1, dinv, b1)


_RB3 = 2000


def _stage3_body(s2_ref, dinv_ref, b2_ref, w2_ref, out_ref):
    t = s2_ref[0] + s2_ref[1]
    h2 = jnp.dot(t, w2_ref[...], preferred_element_type=jnp.float32)
    o = dinv_ref[...] * h2 + b2_ref[...][None, :]
    m = jnp.max(o, axis=1, keepdims=True)
    lse = m + jnp.log(jnp.sum(jnp.exp(o - m), axis=1, keepdims=True))
    out_ref[...] = o - lse


def _stage3(s2, dinv, b2, W2):
    return pl.pallas_call(
        _stage3_body,
        grid=(N // _RB3,),
        in_specs=[
            pl.BlockSpec((2, _RB3, F1), lambda i: (0, i, 0)),
            pl.BlockSpec((_RB3, 1), lambda i: (i, 0)),
            pl.BlockSpec((F2,), lambda i: (0,)),
            pl.BlockSpec((F1, F2), lambda i: (0, 0)),
        ],
        out_specs=pl.BlockSpec((_RB3, F2), lambda i: (i, 0)),
        out_shape=jax.ShapeDtypeStruct((N, F2), jnp.float32),
    )(s2, dinv, b2, W2)


def kernel(x, edge_index, W1, b1, W2, b2):
    ei = edge_index.astype(jnp.int32)
    pad = N + jnp.arange(EP - E, dtype=jnp.int32) % (NP - N)
    src = jnp.concatenate([ei[0], pad])
    dst = jnp.concatenate([ei[1], pad])
    x_pad = jnp.zeros((NP, F1), jnp.float32).at[:N, :].set(x)
    zc = jnp.zeros((NP,), jnp.float32)
    ones = jnp.ones((K,), jnp.float32)
    zs = jnp.zeros((RPT, F1), jnp.float32)

    deg2 = _deg_sc(dst, zc, ones)
    dinv, h1p = _stage1(deg2, x_pad, W1)
    s1 = _row_scatter(h1p, src, dst, zs)
    g2 = _stage2(s1, dinv, b1)
    s2 = _row_scatter(g2, src, dst, zs)
    return _stage3(s2, dinv, b2, W2)

# --- scband reference (transcript-rebuilt; emitter-appended) ---
"""Pipeline reference for scband-gnnclassifier-24790551232826 (READ-ONLY COPY).

The authoritative reference and input builder live on the scoring server;
editing this copy changes nothing except your own understanding.
"""

import jax, jax.numpy as jnp
import numpy as np

N_NODES = 10000


def gcn_conv(x, edge_index, W, b):
    n = x.shape[0]
    src = edge_index[0]
    dst = edge_index[1]
    loop = jnp.arange(n, dtype=edge_index.dtype)
    src = jnp.concatenate([src, loop])
    dst = jnp.concatenate([dst, loop])
    ones = jnp.ones(src.shape[0], dtype=x.dtype)
    deg = jax.ops.segment_sum(ones, dst, num_segments=n)
    dinv = jax.lax.rsqrt(jnp.maximum(deg, 1e-12))
    norm = dinv[src] * dinv[dst]
    h = x @ W
    msg = jnp.take(h, src, axis=0) * norm[:, None]
    agg = jax.ops.segment_sum(msg, dst, num_segments=n)
    return agg + b


def setup_inputs(seed: int = 0) -> dict:
    key = jax.random.key(seed)
    k1, k2, k3, k4 = jax.random.split(key, 4)
    x = jax.random.normal(k1, (N_NODES, 128), dtype=jnp.float32)
    edge_index = jax.random.randint(k2, (2, 320000), 0, N_NODES, dtype=jnp.int64)
    W1 = jax.random.normal(k3, (128, 128), dtype=jnp.float32) * 0.05
    b1 = jnp.zeros((128,), dtype=jnp.float32)
    W2 = jax.random.normal(k4, (128, 16), dtype=jnp.float32) * 0.05
    b2 = jnp.zeros((16,), dtype=jnp.float32)
    return {"x": x, "edge_index": edge_index, "W1": W1, "b1": b1, "W2": W2, "b2": b2}


def reference(x, edge_index, W1, b1, W2, b2):
    # GNNClassifier.forward (eval mode: dropout is identity)
    h = jax.nn.relu(gcn_conv(x, edge_index, W1, b1))
    out = gcn_conv(h, edge_index, W2, b2)
    return jax.nn.log_softmax(out, axis=1)

if __name__ == "__main__":
    import jax
    _d = setup_inputs()
    print(jax.jit(kernel)(*tuple(_d.values())))

</pallas_src>

<mosaic_0001>
#map = affine_map<(d0, d1) -> (0, 0)>
#map1 = affine_map<(d0, d1) -> (0)>
#map2 = affine_map<(d0, d1) -> (0, 0, 0)>
module attributes {stable_mosaic.version = 14 : i64} {
  func.func @_row_scatter(%arg0: i32, %arg1: i32, %arg2: memref<10240x128xf32, #tpu.memory_space<hbm>>, %arg3: memref<327680xi32, #tpu.memory_space<hbm>>, %arg4: memref<327680xi32, #tpu.memory_space<hbm>>, %arg5: memref<640x128xf32, #tpu.memory_space<hbm>>, %arg6: memref<2x10240x128xf32, #tpu.memory_space<hbm>>, %arg7: memref<384xi32, #tpu.memory_space<vmem>>, %arg8: memref<384xi32, #tpu.memory_space<vmem>>, %arg9: memref<2x1x128x128xf32, #tpu.memory_space<vmem>>, %arg10: memref<!tpu.dma_semaphore, #tpu.memory_space<semaphore_mem>>, %arg11: memref<!tpu.dma_semaphore, #tpu.memory_space<semaphore_mem>>, %arg12: memref<!tpu.dma_semaphore, #tpu.memory_space<semaphore_mem>>, %arg13: memref<10240x128xf32, #tpu.memory_space<vmem_shared>>) attributes {dimension_semantics = [#tpu.dimension_semantics<core_parallel>, #tpu.dimension_semantics<subcore_parallel>], iteration_bounds = array<i64: 2, 16>, scalar_prefetch = 0 : i64, scratch_operands = 7 : i64, tpu.core_type = #tpu.core_type<sc_vector_subcore>, window_params = [{transform_indices = #map}, {transform_indices = #map1}, {transform_indices = #map1}, {transform_indices = #map}, {transform_indices = #map2}]} {
    %mul3A = arith.constant 16 : i32
    %mul3A_0 = arith.muli %arg0, %mul3A : i32
    %add3A = arith.addi %mul3A_0, %arg1 : i32
    %rem3A = arith.constant 0 : i32
    %rem3A_1 = arith.constant 3 : i32
    %rem3A_2 = arith.remsi %rem3A, %rem3A_1 : i32
    %mul3A_3 = arith.constant 128 : i32
    %mul3A_4 = arith.muli %rem3A_2, %mul3A_3 : i32
    %multiple_of3A = tpu.assume_multiple %mul3A_4, 128 : i32
    %mul3A_5 = arith.constant 10240 : i32
    %mul3A_6 = arith.muli %add3A, %mul3A_5 : i32
    %add3A_7 = arith.constant 0 : i32
    %add3A_8 = arith.addi %mul3A_6, %add3A_7 : i32
    %multiple_of3A_9 = tpu.assume_multiple %add3A_8, 128 : i32
    %dma_start3A = tpu.memref_slice %arg7[%multiple_of3A] : memref<384xi32, #tpu.memory_space<vmem>> -> memref<128xi32, #tpu.memory_space<vmem>>
    %dma_start3A_10 = tpu.memref_slice %arg3[%multiple_of3A_9] : memref<327680xi32, #tpu.memory_space<hbm>> -> memref<128xi32, #tpu.memory_space<hbm>>
    %dma_start3A_11 = tpu.memref_slice %arg7[%multiple_of3A] : memref<384xi32, #tpu.memory_space<vmem>> -> memref<128xi32, #tpu.memory_space<vmem>>
    %dma_start3A_12 = tpu.memref_slice %arg3[%multiple_of3A_9] : memref<327680xi32, #tpu.memory_space<hbm>> -> memref<128xi32, #tpu.memory_space<hbm>>
    tpu.enqueue_dma source(%dma_start3A_12 : memref<128xi32, #tpu.memory_space<hbm>>) target(%dma_start3A_11 : memref<128xi32, #tpu.memory_space<vmem>>) target_semaphore(%arg10 : memref<!tpu.dma_semaphore, #tpu.memory_space<semaphore_mem>>)
    %dma_start3A_13 = tpu.memref_slice %arg8[%multiple_of3A] : memref<384xi32, #tpu.memory_space<vmem>> -> memref<128xi32, #tpu.memory_space<vmem>>
    %dma_start3A_14 = tpu.memref_slice %arg4[%multiple_of3A_9] : memref<327680xi32, #tpu.memory_space<hbm>> -> memref<128xi32, #tpu.memory_space<hbm>>
    %dma_start3A_15 = tpu.memref_slice %arg8[%multiple_of3A] : memref<384xi32, #tpu.memory_space<vmem>> -> memref<128xi32, #tpu.memory_space<vmem>>
    %dma_start3A_16 = tpu.memref_slice %arg4[%multiple_of3A_9] : memref<327680xi32, #tpu.memory_space<hbm>> -> memref<128xi32, #tpu.memory_space<hbm>>
    tpu.enqueue_dma source(%dma_start3A_16 : memref<128xi32, #tpu.memory_space<hbm>>) target(%dma_start3A_15 : memref<128xi32, #tpu.memory_space<vmem>>) target_semaphore(%arg10 : memref<!tpu.dma_semaphore, #tpu.memory_space<semaphore_mem>>)
    %rem3A_17 = arith.constant 1 : i32
    %rem3A_18 = arith.constant 3 : i32
    %rem3A_19 = arith.remsi %rem3A_17, %rem3A_18 : i32
    %mul3A_20 = arith.constant 128 : i32
    %mul3A_21 = arith.muli %rem3A_19, %mul3A_20 : i32
    %multiple_of3A_22 = tpu.assume_multiple %mul3A_21, 128 : i32
    %mul3A_23 = arith.constant 10240 : i32
    %mul3A_24 = arith.muli %add3A, %mul3A_23 : i32
    %add3A_25 = arith.constant 128 : i32
    %add3A_26 = arith.addi %mul3A_24, %add3A_25 : i32
    %multiple_of3A_27 = tpu.assume_multiple %add3A_26, 128 : i32
    %dma_start3A_28 = tpu.memref_slice %arg7[%multiple_of3A_22] : memref<384xi32, #tpu.memory_space<vmem>> -> memref<128xi32, #tpu.memory_space<vmem>>
    %dma_start3A_29 = tpu.memref_slice %arg3[%multiple_of3A_27] : memref<327680xi32, #tpu.memory_space<hbm>> -> memref<128xi32, #tpu.memory_space<hbm>>
    %dma_start3A_30 = tpu.memref_slice %arg7[%multiple_of3A_22] : memref<384xi32, #tpu.memory_space<vmem>> -> memref<128xi32, #tpu.memory_space<vmem>>
    %dma_start3A_31 = tpu.memref_slice %arg3[%multiple_of3A_27] : memref<327680xi32, #tpu.memory_space<hbm>> -> memref<128xi32, #tpu.memory_space<hbm>>
    tpu.enqueue_dma source(%dma_start3A_31 : memref<128xi32, #tpu.memory_space<hbm>>) target(%dma_start3A_30 : memref<128xi32, #tpu.memory_space<vmem>>) target_semaphore(%arg10 : memref<!tpu.dma_semaphore, #tpu.memory_space<semaphore_mem>>)
    %dma_start3A_32 = tpu.memref_slice %arg8[%multiple_of3A_22] : memref<384xi32, #tpu.memory_space<vmem>> -> memref<128xi32, #tpu.memory_space<vmem>>
    %dma_start3A_33 = tpu.memref_slice %arg4[%multiple_of3A_27] : memref<327680xi32, #tpu.memory_space<hbm>> -> memref<128xi32, #tpu.memory_space<hbm>>
    %dma_start3A_34 = tpu.memref_slice %arg8[%multiple_of3A_22] : memref<384xi32, #tpu.memory_space<vmem>> -> memref<128xi32, #tpu.memory_space<vmem>>
    %dma_start3A_35 = tpu.memref_slice %arg4[%multiple_of3A_27] : memref<327680xi32, #tpu.memory_space<hbm>> -> memref<128xi32, #tpu.memory_space<hbm>>
    tpu.enqueue_dma source(%dma_start3A_35 : memref<128xi32, #tpu.memory_space<hbm>>) target(%dma_start3A_34 : memref<128xi32, #tpu.memory_space<vmem>>) target_semaphore(%arg10 : memref<!tpu.dma_semaphore, #tpu.memory_space<semaphore_mem>>)
    %eq3A = arith.constant 0 : i32
    %eq3A_36 = arith.cmpi eq, %arg0, %eq3A : i32
    %convert_element_type3A = arith.extui %eq3A_36 : i1 to i32
    %cond3A = arith.constant 0 : i32
    %cond3A_37 = arith.cmpi ne, %convert_element_type3A, %cond3A : i32
    scf.if %cond3A_37 {
      %mul3A_111 = arith.constant 640 : i32
      %mul3A_112 = arith.muli %arg1, %mul3A_111 : i32
      %mul3A_113 = arith.constant 640 : i32
      %mul3A_114 = arith.muli %arg1, %mul3A_113 : i32
      "tpu.region"() ({
        %run_scoped3A = tpu.sem_alloc : memref<!tpu.dma_semaphore, #tpu.memory_space<semaphore_mem>>
        %dma_start3A_115 = arith.constant 0 : i32
        %dma_start3A_116 = tpu.memref_slice %arg13[%mul3A_114, %dma_start3A_115] : memref<10240x128xf32, #tpu.memory_space<vmem_shared>> -> memref<640x128xf32, #tpu.memory_space<vmem_shared>>
        %dma_start3A_117 = arith.constant 0 : i32
        %dma_start3A_118 = tpu.memref_slice %arg2[%mul3A_112, %dma_start3A_117] : memref<10240x128xf32, #tpu.memory_space<hbm>> -> memref<640x128xf32, #tpu.memory_space<hbm>>
        tpu.enqueue_dma source(%dma_start3A_118 : memref<640x128xf32, #tpu.memory_space<hbm>>) target(%dma_start3A_116 : memref<640x128xf32, #tpu.memory_space<vmem_shared>>) target_semaphore(%run_scoped3A : memref<!tpu.dma_semaphore, #tpu.memory_space<semaphore_mem>>)
        %dma_wait3A_119 = arith.constant 0 : i32
        %dma_wait3A_120 = tpu.memref_slice %arg13[%mul3A_114, %dma_wait3A_119] : memref<10240x128xf32, #tpu.memory_space<vmem_shared>> -> memref<640x128xf32, #tpu.memory_space<vmem_shared>>
        %dma_wait3A_121 = arith.constant 0 : i32
        %dma_wait3A_122 = tpu.memref_slice %arg2[%mul3A_112, %dma_wait3A_121] : memref<10240x128xf32, #tpu.memory_space<hbm>> -> memref<640x128xf32, #tpu.memory_space<hbm>>
        tpu.wait_dma2 semaphore(%run_scoped3A : memref<!tpu.dma_semaphore, #tpu.memory_space<semaphore_mem>>) src(%dma_wait3A_122 : memref<640x128xf32, #tpu.memory_space<hbm>>) dst(%dma_wait3A_120 : memref<640x128xf32, #tpu.memory_space<vmem_shared>>)
        tpu.yield
      }) : () -> ()
    } else {
    }
    %eq3A_38 = arith.constant 1 : i32
    %eq3A_39 = arith.cmpi eq, %arg0, %eq3A_38 : i32
    %convert_element_type3A_40 = arith.extui %eq3A_39 : i1 to i32
    %cond3A_41 = arith.constant 0 : i32
    %cond3A_42 = arith.cmpi ne, %convert_element_type3A_40, %cond3A_41 : i32
    scf.if %cond3A_42 {
      %mul3A_111 = arith.constant 640 : i32
      %mul3A_112 = arith.muli %arg1, %mul3A_111 : i32
      "tpu.region"() ({
        %run_scoped3A = tpu.sem_alloc : memref<!tpu.dma_semaphore, #tpu.memory_space<semaphore_mem>>
        %dma_start3A_113 = arith.constant 0 : i32
        %dma_start3A_114 = tpu.memref_slice %arg13[%mul3A_112, %dma_start3A_113] : memref<10240x128xf32, #tpu.memory_space<vmem_shared>> -> memref<640x128xf32, #tpu.memory_space<vmem_shared>>
        tpu.enqueue_dma source(%arg5 : memref<640x128xf32, #tpu.memory_space<hbm>>) target(%dma_start3A_114 : memref<640x128xf32, #tpu.memory_space<vmem_shared>>) target_semaphore(%run_scoped3A : memref<!tpu.dma_semaphore, #tpu.memory_space<semaphore_mem>>)
        %dma_wait3A_115 = arith.constant 0 : i32
        %dma_wait3A_116 = tpu.memref_slice %arg13[%mul3A_112, %dma_wait3A_115] : memref<10240x128xf32, #tpu.memory_space<vmem_shared>> -> memref<640x128xf32, #tpu.memory_space<vmem_shared>>
        tpu.wait_dma2 semaphore(%run_scoped3A : memref<!tpu.dma_semaphore, #tpu.memory_space<semaphore_mem>>) src(%arg5 : memref<640x128xf32, #tpu.memory_space<hbm>>) dst(%dma_wait3A_116 : memref<640x128xf32, #tpu.memory_space<vmem_shared>>)
        tpu.yield
      }) : () -> ()
    } else {
    }
    %rem3A_43 = arith.constant 0 : i32
    %rem3A_44 = arith.constant 3 : i32
    %rem3A_45 = arith.remsi %rem3A_43, %rem3A_44 : i32
    %mul3A_46 = arith.constant 128 : i32
    %mul3A_47 = arith.muli %rem3A_45, %mul3A_46 : i32
    %multiple_of3A_48 = tpu.assume_multiple %mul3A_47, 128 : i32
    %mul3A_49 = arith.constant 10240 : i32
    %mul3A_50 = arith.muli %add3A, %mul3A_49 : i32
    %add3A_51 = arith.constant 0 : i32
    %add3A_52 = arith.addi %mul3A_50, %add3A_51 : i32
    %multiple_of3A_53 = tpu.assume_multiple %add3A_52, 128 : i32
    %dma_wait3A = tpu.memref_slice %arg7[%multiple_of3A_48] : memref<384xi32, #tpu.memory_space<vmem>> -> memref<128xi32, #tpu.memory_space<vmem>>
    %dma_wait3A_54 = tpu.memref_slice %arg3[%multiple_of3A_53] : memref<327680xi32, #tpu.memory_space<hbm>> -> memref<128xi32, #tpu.memory_space<hbm>>
    %dma_wait3A_55 = tpu.memref_slice %arg7[%multiple_of3A_48] : memref<384xi32, #tpu.memory_space<vmem>> -> memref<128xi32, #tpu.memory_space<vmem>>
    %dma_wait3A_56 = tpu.memref_slice %arg3[%multiple_of3A_53] : memref<327680xi32, #tpu.memory_space<hbm>> -> memref<128xi32, #tpu.memory_space<hbm>>
    tpu.wait_dma2 semaphore(%arg10 : memref<!tpu.dma_semaphore, #tpu.memory_space<semaphore_mem>>) src(%dma_wait3A_56 : memref<128xi32, #tpu.memory_space<hbm>>) dst(%dma_wait3A_55 : memref<128xi32, #tpu.memory_space<vmem>>)
    %dma_wait3A_57 = tpu.memref_slice %arg8[%multiple_of3A_48] : memref<384xi32, #tpu.memory_space<vmem>> -> memref<128xi32, #tpu.memory_space<vmem>>
    %dma_wait3A_58 = tpu.memref_slice %arg4[%multiple_of3A_53] : memref<327680xi32, #tpu.memory_space<hbm>> -> memref<128xi32, #tpu.memory_space<hbm>>
    %dma_wait3A_59 = tpu.memref_slice %arg8[%multiple_of3A_48] : memref<384xi32, #tpu.memory_space<vmem>> -> memref<128xi32, #tpu.memory_space<vmem>>
    %dma_wait3A_60 = tpu.memref_slice %arg4[%multiple_of3A_53] : memref<327680xi32, #tpu.memory_space<hbm>> -> memref<128xi32, #tpu.memory_space<hbm>>
    tpu.wait_dma2 semaphore(%arg10 : memref<!tpu.dma_semaphore, #tpu.memory_space<semaphore_mem>>) src(%dma_wait3A_60 : memref<128xi32, #tpu.memory_space<hbm>>) dst(%dma_wait3A_59 : memref<128xi32, #tpu.memory_space<vmem>>)
    %rem3A_61 = arith.constant 0 : i32
    %rem3A_62 = arith.constant 3 : i32
    %rem3A_63 = arith.remsi %rem3A_61, %rem3A_62 : i32
    %mul3A_64 = arith.constant 128 : i32
    %mul3A_65 = arith.muli %rem3A_63, %mul3A_64 : i32
    %multiple_of3A_66 = tpu.assume_multiple %mul3A_65, 128 : i32
    %rem3A_67 = arith.constant 0 : i32
    %rem3A_68 = arith.constant 2 : i32
    %rem3A_69 = arith.remsi %rem3A_67, %rem3A_68 : i32
    %add3A_70 = arith.constant 0 : i32
    %add3A_71 = arith.addi %multiple_of3A_66, %add3A_70 : i32
    %dma_start3A_72 = arith.constant 0 : i32
    %dma_start3A_73 = arith.constant 0 : i32
    %dma_start3A_74 = arith.constant 0 : i32
    %dma_start3A_75 = tpu.memref_slice %arg9[%rem3A_69, %dma_start3A_72, %dma_start3A_73, %dma_start3A_74] : memref<2x1x128x128xf32, #tpu.memory_space<vmem>> -> memref<1x1x128x128xf32, #tpu.memory_space<vmem>>
    %dma_start3A_76 = tpu.memref_squeeze %dma_start3A_75 : memref<1x1x128x128xf32, #tpu.memory_space<vmem>> -> memref<128x128xf32, #tpu.memory_space<vmem>>
    %dma_start3A_77 = tpu.memref_slice %arg7[%add3A_71] : memref<384xi32, #tpu.memory_space<vmem>> -> memref<128xi32, #tpu.memory_space<vmem>>
    %dma_start3A_78 = arith.constant 0 : i32
    %dma_start3A_79 = arith.constant 0 : i32
    %dma_start3A_80 = tpu.memref_slice %arg2[%dma_start3A_78, %dma_start3A_79] : memref<10240x128xf32, #tpu.memory_space<hbm>> -> memref<10240x128xf32, #tpu.memory_space<hbm>>
    tpu.enqueue_indirect_dma source(%dma_start3A_80 : memref<10240x128xf32, #tpu.memory_space<hbm>>) target(%dma_start3A_76 : memref<128x128xf32, #tpu.memory_space<vmem>>) offsets(%dma_start3A_77 : memref<128xi32, #tpu.memory_space<vmem>>) semaphore(%arg11 : memref<!tpu.dma_semaphore, #tpu.memory_space<semaphore_mem>>)
    %barrier3A = arith.constant 0 : index
    tpu.barrier barrier_id(%barrier3A)
    %scan3A = arith.constant 0 : i32
    %scan3A_81 = arith.constant 0 : i32
    %scan3A_82 = arith.constant 80 : i32
    %scan3A_83 = arith.addi %scan3A_81, %scan3A_82 : i32
    %scan3A_84 = arith.constant 1 : i32
    scf.for %scan3A_111 = %scan3A_81 to %scan3A_83 step %scan3A_84  : i32 {
      %gt3A = arith.constant 0 : i32
      %gt3A_112 = arith.cmpi sgt, %scan3A_111, %gt3A : i32
      %convert_element_type3A_113 = arith.extui %gt3A_112 : i1 to i32
      %cond3A_114 = arith.constant 0 : i32
      %cond3A_115 = arith.cmpi ne, %convert_element_type3A_113, %cond3A_114 : i32
      scf.if %cond3A_115 {
        %sub3A = arith.constant 1 : i32
        %sub3A_165 = arith.subi %scan3A_111, %sub3A : i32
        %rem3A_166 = arith.constant 3 : i32
        %rem3A_167 = arith.remsi %sub3A_165, %rem3A_166 : i32
        %mul3A_168 = arith.constant 128 : i32
        %mul3A_169 = arith.muli %rem3A_167, %mul3A_168 : i32
        %multiple_of3A_170 = tpu.assume_multiple %mul3A_169, 128 : i32
        %rem3A_171 = arith.constant 2 : i32
        %rem3A_172 = arith.remsi %sub3A_165, %rem3A_171 : i32
        %add3A_173 = arith.constant 0 : i32
        %add3A_174 = arith.addi %multiple_of3A_170, %add3A_173 : i32
        %dma_wait3A_175 = arith.constant 0 : i32
        %dma_wait3A_176 = arith.constant 0 : i32
        %dma_wait3A_177 = arith.constant 0 : i32
        %dma_wait3A_178 = tpu.memref_slice %arg9[%rem3A_172, %dma_wait3A_175, %dma_wait3A_176, %dma_wait3A_177] : memref<2x1x128x128xf32, #tpu.memory_space<vmem>> -> memref<1x1x128x128xf32, #tpu.memory_space<vmem>>
        %dma_wait3A_179 = tpu.memref_squeeze %dma_wait3A_178 : memref<1x1x128x128xf32, #tpu.memory_space<vmem>> -> memref<128x128xf32, #tpu.memory_space<vmem>>
        %dma_wait3A_180 = tpu.memref_slice %arg8[%add3A_174] : memref<384xi32, #tpu.memory_space<vmem>> -> memref<128xi32, #tpu.memory_space<vmem>>
        %dma_wait3A_181 = arith.constant 0 : i32
        %dma_wait3A_182 = arith.constant 0 : i32
        %dma_wait3A_183 = tpu.memref_slice %arg13[%dma_wait3A_181, %dma_wait3A_182] : memref<10240x128xf32, #tpu.memory_space<vmem_shared>> -> memref<10240x128xf32, #tpu.memory_space<vmem_shared>>
        tpu.wait_indirect_dma semaphore(%arg12 : memref<!tpu.dma_semaphore, #tpu.memory_space<semaphore_mem>>) src(%dma_wait3A_179 : memref<128x128xf32, #tpu.memory_space<vmem>>) dst(%dma_wait3A_183 : memref<10240x128xf32, #tpu.memory_space<vmem_shared>>)
      } else {
      }
      %add3A_116 = arith.constant 1 : i32
      %add3A_117 = arith.addi %scan3A_111, %add3A_116 : i32
      %lt3A = arith.constant 80 : i32
      %lt3A_118 = arith.cmpi slt, %add3A_117, %lt3A : i32
      %convert_element_type3A_119 = arith.extui %lt3A_118 : i1 to i32
      %cond3A_120 = arith.constant 0 : i32
      %cond3A_121 = arith.cmpi ne, %convert_element_type3A_119, %cond3A_120 : i32
      scf.if %cond3A_121 {
        %add3A_165 = arith.constant 1 : i32
        %add3A_166 = arith.addi %scan3A_111, %add3A_165 : i32
        %rem3A_167 = arith.constant 3 : i32
        %rem3A_168 = arith.remsi %add3A_166, %rem3A_167 : i32
        %mul3A_169 = arith.constant 128 : i32
        %mul3A_170 = arith.muli %rem3A_168, %mul3A_169 : i32
        %multiple_of3A_171 = tpu.assume_multiple %mul3A_170, 128 : i32
        %mul3A_172 = arith.constant 10240 : i32
        %mul3A_173 = arith.muli %add3A, %mul3A_172 : i32
        %mul3A_174 = arith.constant 128 : i32
        %mul3A_175 = arith.muli %add3A_166, %mul3A_174 : i32
        %add3A_176 = arith.addi %mul3A_173, %mul3A_175 : i32
        %multiple_of3A_177 = tpu.assume_multiple %add3A_176, 128 : i32
        %dma_wait3A_178 = tpu.memref_slice %arg7[%multiple_of3A_171] : memref<384xi32, #tpu.memory_space<vmem>> -> memref<128xi32, #tpu.memory_space<vmem>>
        %dma_wait3A_179 = tpu.memref_slice %arg3[%multiple_of3A_177] : memref<327680xi32, #tpu.memory_space<hbm>> -> memref<128xi32, #tpu.memory_space<hbm>>
        %dma_wait3A_180 = tpu.memref_slice %arg7[%multiple_of3A_171] : memref<384xi32, #tpu.memory_space<vmem>> -> memref<128xi32, #tpu.memory_space<vmem>>
        %dma_wait3A_181 = tpu.memref_slice %arg3[%multiple_of3A_177] : memref<327680xi32, #tpu.memory_space<hbm>> -> memref<128xi32, #tpu.memory_space<hbm>>
        tpu.wait_dma2 semaphore(%arg10 : memref<!tpu.dma_semaphore, #tpu.memory_space<semaphore_mem>>) src(%dma_wait3A_181 : memref<128xi32, #tpu.memory_space<hbm>>) dst(%dma_wait3A_180 : memref<128xi32, #tpu.memory_space<vmem>>)
        %dma_wait3A_182 = tpu.memref_slice %arg8[%multiple_of3A_171] : memref<384xi32, #tpu.memory_space<vmem>> -> memref<128xi32, #tpu.memory_space<vmem>>
        %dma_wait3A_183 = tpu.memref_slice %arg4[%multiple_of3A_177] : memref<327680xi32, #tpu.memory_space<hbm>> -> memref<128xi32, #tpu.memory_space<hbm>>
        %dma_wait3A_184 = tpu.memref_slice %arg8[%multiple_of3A_171] : memref<384xi32, #tpu.memory_space<vmem>> -> memref<128xi32, #tpu.memory_space<vmem>>
        %dma_wait3A_185 = tpu.memref_slice %arg4[%multiple_of3A_177] : memref<327680xi32, #tpu.memory_space<hbm>> -> memref<128xi32, #tpu.memory_space<hbm>>
        tpu.wait_dma2 semaphore(%arg10 : memref<!tpu.dma_semaphore, #tpu.memory_space<semaphore_mem>>) src(%dma_wait3A_185 : memref<128xi32, #tpu.memory_space<hbm>>) dst(%dma_wait3A_184 : memref<128xi32, #tpu.memory_space<vmem>>)
        %add3A_186 = arith.constant 1 : i32
        %add3A_187 = arith.addi %scan3A_111, %add3A_186 : i32
        %rem3A_188 = arith.constant 3 : i32
        %rem3A_189 = arith.remsi %add3A_187, %rem3A_188 : i32
        %mul3A_190 = arith.constant 128 : i32
        %mul3A_191 = arith.muli %rem3A_189, %mul3A_190 : i32
        %multiple_of3A_192 = tpu.assume_multiple %mul3A_191, 128 : i32
        %rem3A_193 = arith.constant 2 : i32
        %rem3A_194 = arith.remsi %add3A_187, %rem3A_193 : i32
        %add3A_195 = arith.constant 0 : i32
        %add3A_196 = arith.addi %multiple_of3A_192, %add3A_195 : i32
        %dma_start3A_197 = arith.constant 0 : i32
        %dma_start3A_198 = arith.constant 0 : i32
        %dma_start3A_199 = arith.constant 0 : i32
        %dma_start3A_200 = tpu.memref_slice %arg9[%rem3A_194, %dma_start3A_197, %dma_start3A_198, %dma_start3A_199] : memref<2x1x128x128xf32, #tpu.memory_space<vmem>> -> memref<1x1x128x128xf32, #tpu.memory_space<vmem>>
        %dma_start3A_201 = tpu.memref_squeeze %dma_start3A_200 : memref<1x1x128x128xf32, #tpu.memory_space<vmem>> -> memref<128x128xf32, #tpu.memory_space<vmem>>
        %dma_start3A_202 = tpu.memref_slice %arg7[%add3A_196] : memref<384xi32, #tpu.memory_space<vmem>> -> memref<128xi32, #tpu.memory_space<vmem>>
        %dma_start3A_203 = arith.constant 0 : i32
        %dma_start3A_204 = arith.constant 0 : i32
        %dma_start3A_205 = tpu.memref_slice %arg2[%dma_start3A_203, %dma_start3A_204] : memref<10240x128xf32, #tpu.memory_space<hbm>> -> memref<10240x128xf32, #tpu.memory_space<hbm>>
        tpu.enqueue_indirect_dma source(%dma_start3A_205 : memref<10240x128xf32, #tpu.memory_space<hbm>>) target(%dma_start3A_201 : memref<128x128xf32, #tpu.memory_space<vmem>>) offsets(%dma_start3A_202 : memref<128xi32, #tpu.memory_space<vmem>>) semaphore(%arg11 : memref<!tpu.dma_semaphore, #tpu.memory_space<semaphore_mem>>)
      } else {
      }
      %rem3A_122 = arith.constant 3 : i32
      %rem3A_123 = arith.remsi %scan3A_111, %rem3A_122 : i32
      %mul3A_124 = arith.constant 128 : i32
      %mul3A_125 = arith.muli %rem3A_123, %mul3A_124 : i32
      %multiple_of3A_126 = tpu.assume_multiple %mul3A_125, 128 : i32
      %rem3A_127 = arith.constant 2 : i32
      %rem3A_128 = arith.remsi %scan3A_111, %rem3A_127 : i32
      %add3A_129 = arith.constant 0 : i32
      %add3A_130 = arith.addi %multiple_of3A_126, %add3A_129 : i32
      %dma_wait3A_131 = arith.constant 0 : i32
      %dma_wait3A_132 = arith.constant 0 : i32
      %dma_wait3A_133 = arith.constant 0 : i32
      %dma_wait3A_134 = tpu.memref_slice %arg9[%rem3A_128, %dma_wait3A_131, %dma_wait3A_132, %dma_wait3A_133] : memref<2x1x128x128xf32, #tpu.memory_space<vmem>> -> memref<1x1x128x128xf32, #tpu.memory_space<vmem>>
      %dma_wait3A_135 = tpu.memref_squeeze %dma_wait3A_134 : memref<1x1x128x128xf32, #tpu.memory_space<vmem>> -> memref<128x128xf32, #tpu.memory_space<vmem>>
      %dma_wait3A_136 = tpu.memref_slice %arg7[%add3A_130] : memref<384xi32, #tpu.memory_space<vmem>> -> memref<128xi32, #tpu.memory_space<vmem>>
      %dma_wait3A_137 = arith.constant 0 : i32
      %dma_wait3A_138 = arith.constant 0 : i32
      %dma_wait3A_139 = tpu.memref_slice %arg2[%dma_wait3A_137, %dma_wait3A_138] : memref<10240x128xf32, #tpu.memory_space<hbm>> -> memref<10240x128xf32, #tpu.memory_space<hbm>>
      tpu.wait_indirect_dma semaphore(%arg11 : memref<!tpu.dma_semaphore, #tpu.memory_space<semaphore_mem>>) src(%dma_wait3A_139 : memref<10240x128xf32, #tpu.memory_space<hbm>>) dst(%dma_wait3A_135 : memref<128x128xf32, #tpu.memory_space<vmem>>)
      %add3A_140 = arith.constant 2 : i32
      %add3A_141 = arith.addi %scan3A_111, %add3A_140 : i32
      %lt3A_142 = arith.constant 80 : i32
      %lt3A_143 = arith.cmpi slt, %add3A_141, %lt3A_142 : i32
      %convert_element_type3A_144 = arith.extui %lt3A_143 : i1 to i32
      %cond3A_145 = arith.constant 0 : i32
      %cond3A_146 = arith.cmpi ne, %convert_element_type3A_144, %cond3A_145 : i32
      scf.if %cond3A_146 {
        %add3A_165 = arith.constant 2 : i32
        %add3A_166 = arith.addi %scan3A_111, %add3A_165 : i32
        %rem3A_167 = arith.constant 3 : i32
        %rem3A_168 = arith.remsi %add3A_166, %rem3A_167 : i32
        %mul3A_169 = arith.constant 128 : i32
        %mul3A_170 = arith.muli %rem3A_168, %mul3A_169 : i32
        %multiple_of3A_171 = tpu.assume_multiple %mul3A_170, 128 : i32
        %mul3A_172 = arith.constant 10240 : i32
        %mul3A_173 = arith.muli %add3A, %mul3A_172 : i32
        %mul3A_174 = arith.constant 128 : i32
        %mul3A_175 = arith.muli %add3A_166, %mul3A_174 : i32
        %add3A_176 = arith.addi %mul3A_173, %mul3A_175 : i32
        %multiple_of3A_177 = tpu.assume_multiple %add3A_176, 128 : i32
        %dma_start3A_178 = tpu.memref_slice %arg7[%multiple_of3A_171] : memref<384xi32, #tpu.memory_space<vmem>> -> memref<128xi32, #tpu.memory_space<vmem>>
        %dma_start3A_179 = tpu.memref_slice %arg3[%multiple_of3A_177] : memref<327680xi32, #tpu.memory_space<hbm>> -> memref<128xi32, #tpu.memory_space<hbm>>
        %dma_start3A_180 = tpu.memref_slice %arg7[%multiple_of3A_171] : memref<384xi32, #tpu.memory_space<vmem>> -> memref<128xi32, #tpu.memory_space<vmem>>
        %dma_start3A_181 = tpu.memref_slice %arg3[%multiple_of3A_177] : memref<327680xi32, #tpu.memory_space<hbm>> -> memref<128xi32, #tpu.memory_space<hbm>>
        tpu.enqueue_dma source(%dma_start3A_181 : memref<128xi32, #tpu.memory_space<hbm>>) target(%dma_start3A_180 : memref<128xi32, #tpu.memory_space<vmem>>) target_semaphore(%arg10 : memref<!tpu.dma_semaphore, #tpu.memory_space<semaphore_mem>>)
        %dma_start3A_182 = tpu.memref_slice %arg8[%multiple_of3A_171] : memref<384xi32, #tpu.memory_space<vmem>> -> memref<128xi32, #tpu.memory_space<vmem>>
        %dma_start3A_183 = tpu.memref_slice %arg4[%multiple_of3A_177] : memref<327680xi32, #tpu.memory_space<hbm>> -> memref<128xi32, #tpu.memory_space<hbm>>
        %dma_start3A_184 = tpu.memref_slice %arg8[%multiple_of3A_171] : memref<384xi32, #tpu.memory_space<vmem>> -> memref<128xi32, #tpu.memory_space<vmem>>
        %dma_start3A_185 = tpu.memref_slice %arg4[%multiple_of3A_177] : memref<327680xi32, #tpu.memory_space<hbm>> -> memref<128xi32, #tpu.memory_space<hbm>>
        tpu.enqueue_dma source(%dma_start3A_185 : memref<128xi32, #tpu.memory_space<hbm>>) target(%dma_start3A_184 : memref<128xi32, #tpu.memory_space<vmem>>) target_semaphore(%arg10 : memref<!tpu.dma_semaphore, #tpu.memory_space<semaphore_mem>>)
      } else {
      }
      %rem3A_147 = arith.constant 3 : i32
      %rem3A_148 = arith.remsi %scan3A_111, %rem3A_147 : i32
      %mul3A_149 = arith.constant 128 : i32
      %mul3A_150 = arith.muli %rem3A_148, %mul3A_149 : i32
      %multiple_of3A_151 = tpu.assume_multiple %mul3A_150, 128 : i32
      %rem3A_152 = arith.constant 2 : i32
      %rem3A_153 = arith.remsi %scan3A_111, %rem3A_152 : i32
      %add3A_154 = arith.constant 0 : i32
      %add3A_155 = arith.addi %multiple_of3A_151, %add3A_154 : i32
      %dma_start3A_156 = arith.constant 0 : i32
      %dma_start3A_157 = arith.constant 0 : i32
      %dma_start3A_158 = arith.constant 0 : i32
      %dma_start3A_159 = tpu.memref_slice %arg9[%rem3A_153, %dma_start3A_156, %dma_start3A_157, %dma_start3A_158] : memref<2x1x128x128xf32, #tpu.memory_space<vmem>> -> memref<1x1x128x128xf32, #tpu.memory_space<vmem>>
      %dma_start3A_160 = tpu.memref_squeeze %dma_start3A_159 : memref<1x1x128x128xf32, #tpu.memory_space<vmem>> -> memref<128x128xf32, #tpu.memory_space<vmem>>
      %dma_start3A_161 = tpu.memref_slice %arg8[%add3A_155] : memref<384xi32, #tpu.memory_space<vmem>> -> memref<128xi32, #tpu.memory_space<vmem>>
      %dma_start3A_162 = arith.constant 0 : i32
      %dma_start3A_163 = arith.constant 0 : i32
      %dma_start3A_164 = tpu.memref_slice %arg13[%dma_start3A_162, %dma_start3A_163] : memref<10240x128xf32, #tpu.memory_space<vmem_shared>> -> memref<10240x128xf32, #tpu.memory_space<vmem_shared>>
      tpu.enqueue_indirect_dma source(%dma_start3A_160 : memref<128x128xf32, #tpu.memory_space<vmem>>) target(%dma_start3A_164 : memref<10240x128xf32, #tpu.memory_space<vmem_shared>>) offsets(%dma_start3A_161 : memref<128xi32, #tpu.memory_space<vmem>>) semaphore(%arg12 : memref<!tpu.dma_semaphore, #tpu.memory_space<semaphore_mem>>) {add = true}
    }
    %scan3A_85 = arith.constant 80 : i32
    %rem3A_86 = arith.constant 79 : i32
    %rem3A_87 = arith.constant 3 : i32
    %rem3A_88 = arith.remsi %rem3A_86, %rem3A_87 : i32
    %mul3A_89 = arith.constant 128 : i32
    %mul3A_90 = arith.muli %rem3A_88, %mul3A_89 : i32
    %multiple_of3A_91 = tpu.assume_multiple %mul3A_90, 128 : i32
    %rem3A_92 = arith.constant 79 : i32
    %rem3A_93 = arith.constant 2 : i32
    %rem3A_94 = arith.remsi %rem3A_92, %rem3A_93 : i32
    %add3A_95 = arith.constant 0 : i32
    %add3A_96 = arith.addi %multiple_of3A_91, %add3A_95 : i32
    %dma_wait3A_97 = arith.constant 0 : i32
    %dma_wait3A_98 = arith.constant 0 : i32
    %dma_wait3A_99 = arith.constant 0 : i32
    %dma_wait3A_100 = tpu.memref_slice %arg9[%rem3A_94, %dma_wait3A_97, %dma_wait3A_98, %dma_wait3A_99] : memref<2x1x128x128xf32, #tpu.memory_space<vmem>> -> memref<1x1x128x128xf32, #tpu.memory_space<vmem>>
    %dma_wait3A_101 = tpu.memref_squeeze %dma_wait3A_100 : memref<1x1x128x128xf32, #tpu.memory_space<vmem>> -> memref<128x128xf32, #tpu.memory_space<vmem>>
    %dma_wait3A_102 = tpu.memref_slice %arg8[%add3A_96] : memref<384xi32, #tpu.memory_space<vmem>> -> memref<128xi32, #tpu.memory_space<vmem>>
    %dma_wait3A_103 = arith.constant 0 : i32
    %dma_wait3A_104 = arith.constant 0 : i32
    %dma_wait3A_105 = tpu.memref_slice %arg13[%dma_wait3A_103, %dma_wait3A_104] : memref<10240x128xf32, #tpu.memory_space<vmem_shared>> -> memref<10240x128xf32, #tpu.memory_space<vmem_shared>>
    tpu.wait_indirect_dma semaphore(%arg12 : memref<!tpu.dma_semaphore, #tpu.memory_space<semaphore_mem>>) src(%dma_wait3A_101 : memref<128x128xf32, #tpu.memory_space<vmem>>) dst(%dma_wait3A_105 : memref<10240x128xf32, #tpu.memory_space<vmem_shared>>)
    %barrier3A_106 = arith.constant 0 : index
    tpu.barrier barrier_id(%barrier3A_106)
    %mul3A_107 = arith.constant 640 : i32
    %mul3A_108 = arith.muli %arg1, %mul3A_107 : i32
    %mul3A_109 = arith.constant 640 : i32
    %mul3A_110 = arith.muli %arg1, %mul3A_109 : i32
    "tpu.region"() ({
      %run_scoped3A = tpu.sem_alloc : memref<!tpu.dma_semaphore, #tpu.memory_space<semaphore_mem>>
      %dma_start3A_111 = arith.constant 0 : i32
      %dma_start3A_112 = tpu.memref_slice %arg6[%arg0, %mul3A_110, %dma_start3A_111] : memref<2x10240x128xf32, #tpu.memory_space<hbm>> -> memref<1x640x128xf32, #tpu.memory_space<hbm>>
      %dma_start3A_113 = tpu.memref_squeeze %dma_start3A_112 : memref<1x640x128xf32, #tpu.memory_space<hbm>> -> memref<640x128xf32, #tpu.memory_space<hbm>>
      %dma_start3A_114 = arith.constant 0 : i32
      %dma_start3A_115 = tpu.memref_slice %arg13[%mul3A_108, %dma_start3A_114] : memref<10240x128xf32, #tpu.memory_space<vmem_shared>> -> memref<640x128xf32, #tpu.memory_space<vmem_shared>>
      tpu.enqueue_dma source(%dma_start3A_115 : memref<640x128xf32, #tpu.memory_space<vmem_shared>>) target(%dma_start3A_113 : memref<640x128xf32, #tpu.memory_space<hbm>>) target_semaphore(%run_scoped3A : memref<!tpu.dma_semaphore, #tpu.memory_space<semaphore_mem>>)
      %dma_wait3A_116 = arith.constant 0 : i32
      %dma_wait3A_117 = tpu.memref_slice %arg6[%arg0, %mul3A_110, %dma_wait3A_116] : memref<2x10240x128xf32, #tpu.memory_space<hbm>> -> memref<1x640x128xf32, #tpu.memory_space<hbm>>
      %dma_wait3A_118 = tpu.memref_squeeze %dma_wait3A_117 : memref<1x640x128xf32, #tpu.memory_space<hbm>> -> memref<640x128xf32, #tpu.memory_space<hbm>>
      %dma_wait3A_119 = arith.constant 0 : i32
      %dma_wait3A_120 = tpu.memref_slice %arg13[%mul3A_108, %dma_wait3A_119] : memref<10240x128xf32, #tpu.memory_space<vmem_shared>> -> memref<640x128xf32, #tpu.memory_space<vmem_shared>>
      tpu.wait_dma2 semaphore(%run_scoped3A : memref<!tpu.dma_semaphore, #tpu.memory_space<semaphore_mem>>) src(%dma_wait3A_120 : memref<640x128xf32, #tpu.memory_space<vmem_shared>>) dst(%dma_wait3A_118 : memref<640x128xf32, #tpu.memory_space<hbm>>)
      tpu.yield
    }) : () -> ()
    return
  }
}

#map = affine_map<(d0, d1) -> (0)>
#map1 = affine_map<(d0, d1) -> (0, 0)>
module attributes {stable_mosaic.version = 14 : i64} {
  func.func @_deg_sc(%arg0: i32, %arg1: i32, %arg2: memref<327680xi32, #tpu.memory_space<hbm>>, %arg3: memref<10240xf32, #tpu.memory_space<hbm>>, %arg4: memref<128xf32, #tpu.memory_space<hbm>>, %arg5: memref<2x10240xf32, #tpu.memory_space<hbm>>, %arg6: memref<6144xi32, #tpu.memory_space<vmem>>, %arg7: memref<128xf32, #tpu.memory_space<vmem>>, %arg8: memref<!tpu.dma_semaphore, #tpu.memory_space<semaphore_mem>>, %arg9: memref<!tpu.dma_semaphore, #tpu.memory_space<semaphore_mem>>, %arg10: memref<10240xf32, #tpu.memory_space<vmem_shared>>) attributes {dimension_semantics = [#tpu.dimension_semantics<core_parallel>, #tpu.dimension_semantics<subcore_parallel>], iteration_bounds = array<i64: 2, 16>, scalar_prefetch = 0 : i64, scratch_operands = 5 : i64, tpu.core_type = #tpu.core_type<sc_vector_subcore>, window_params = [{transform_indices = #map}, {transform_indices = #map}, {transform_indices = #map}, {transform_indices = #map1}]} {
    %mul3A = arith.constant 16 : i32
    %mul3A_0 = arith.muli %arg0, %mul3A : i32
    %add3A = arith.addi %mul3A_0, %arg1 : i32
    "tpu.region"() ({
      %run_scoped3A = tpu.sem_alloc : memref<!tpu.dma_semaphore, #tpu.memory_space<semaphore_mem>>
      tpu.enqueue_dma source(%arg4 : memref<128xf32, #tpu.memory_space<hbm>>) target(%arg7 : memref<128xf32, #tpu.memory_space<vmem>>) target_semaphore(%run_scoped3A : memref<!tpu.dma_semaphore, #tpu.memory_space<semaphore_mem>>)
      tpu.wait_dma2 semaphore(%run_scoped3A : memref<!tpu.dma_semaphore, #tpu.memory_space<semaphore_mem>>) src(%arg4 : memref<128xf32, #tpu.memory_space<hbm>>) dst(%arg7 : memref<128xf32, #tpu.memory_space<vmem>>)
      tpu.yield
    }) : () -> ()
    %mul3A_1 = arith.constant 640 : i32
    %mul3A_2 = arith.muli %arg1, %mul3A_1 : i32
    %mul3A_3 = arith.constant 640 : i32
    %mul3A_4 = arith.muli %arg1, %mul3A_3 : i32
    "tpu.region"() ({
      %run_scoped3A = tpu.sem_alloc : memref<!tpu.dma_semaphore, #tpu.memory_space<semaphore_mem>>
      %dma_start3A_142 = tpu.memref_slice %arg10[%mul3A_4] : memref<10240xf32, #tpu.memory_space<vmem_shared>> -> memref<640xf32, #tpu.memory_space<vmem_shared>>
      %dma_start3A_143 = tpu.memref_slice %arg3[%mul3A_2] : memref<10240xf32, #tpu.memory_space<hbm>> -> memref<640xf32, #tpu.memory_space<hbm>>
      tpu.enqueue_dma source(%dma_start3A_143 : memref<640xf32, #tpu.memory_space<hbm>>) target(%dma_start3A_142 : memref<640xf32, #tpu.memory_space<vmem_shared>>) target_semaphore(%run_scoped3A : memref<!tpu.dma_semaphore, #tpu.memory_space<semaphore_mem>>)
      %dma_wait3A_144 = tpu.memref_slice %arg10[%mul3A_4] : memref<10240xf32, #tpu.memory_space<vmem_shared>> -> memref<640xf32, #tpu.memory_space<vmem_shared>>
      %dma_wait3A_145 = tpu.memref_slice %arg3[%mul3A_2] : memref<10240xf32, #tpu.memory_space<hbm>> -> memref<640xf32, #tpu.memory_space<hbm>>
      tpu.wait_dma2 semaphore(%run_scoped3A : memref<!tpu.dma_semaphore, #tpu.memory_space<semaphore_mem>>) src(%dma_wait3A_145 : memref<640xf32, #tpu.memory_space<hbm>>) dst(%dma_wait3A_144 : memref<640xf32, #tpu.memory_space<vmem_shared>>)
      tpu.yield
    }) : () -> ()
    %barrier3A = arith.constant 0 : index
    tpu.barrier barrier_id(%barrier3A)
    %rem3A = arith.constant 0 : i32
    %rem3A_5 = arith.constant 3 : i32
    %rem3A_6 = arith.remsi %rem3A, %rem3A_5 : i32
    %mul3A_7 = arith.constant 2048 : i32
    %mul3A_8 = arith.muli %rem3A_6, %mul3A_7 : i32
    %multiple_of3A = tpu.assume_multiple %mul3A_8, 2048 : i32
    %mul3A_9 = arith.constant 10240 : i32
    %mul3A_10 = arith.muli %add3A, %mul3A_9 : i32
    %add3A_11 = arith.constant 0 : i32
    %add3A_12 = arith.addi %mul3A_10, %add3A_11 : i32
    %multiple_of3A_13 = tpu.assume_multiple %add3A_12, 2048 : i32
    %dma_start3A = tpu.memref_slice %arg6[%multiple_of3A] : memref<6144xi32, #tpu.memory_space<vmem>> -> memref<2048xi32, #tpu.memory_space<vmem>>
    %dma_start3A_14 = tpu.memref_slice %arg2[%multiple_of3A_13] : memref<327680xi32, #tpu.memory_space<hbm>> -> memref<2048xi32, #tpu.memory_space<hbm>>
    %dma_start3A_15 = tpu.memref_slice %arg6[%multiple_of3A] : memref<6144xi32, #tpu.memory_space<vmem>> -> memref<2048xi32, #tpu.memory_space<vmem>>
    %dma_start3A_16 = tpu.memref_slice %arg2[%multiple_of3A_13] : memref<327680xi32, #tpu.memory_space<hbm>> -> memref<2048xi32, #tpu.memory_space<hbm>>
    tpu.enqueue_dma source(%dma_start3A_16 : memref<2048xi32, #tpu.memory_space<hbm>>) target(%dma_start3A_15 : memref<2048xi32, #tpu.memory_space<vmem>>) target_semaphore(%arg8 : memref<!tpu.dma_semaphore, #tpu.memory_space<semaphore_mem>>)
    %rem3A_17 = arith.constant 1 : i32
    %rem3A_18 = arith.constant 3 : i32
    %rem3A_19 = arith.remsi %rem3A_17, %rem3A_18 : i32
    %mul3A_20 = arith.constant 2048 : i32
    %mul3A_21 = arith.muli %rem3A_19, %mul3A_20 : i32
    %multiple_of3A_22 = tpu.assume_multiple %mul3A_21, 2048 : i32
    %mul3A_23 = arith.constant 10240 : i32
    %mul3A_24 = arith.muli %add3A, %mul3A_23 : i32
    %add3A_25 = arith.constant 2048 : i32
    %add3A_26 = arith.addi %mul3A_24, %add3A_25 : i32
    %multiple_of3A_27 = tpu.assume_multiple %add3A_26, 2048 : i32
    %dma_start3A_28 = tpu.memref_slice %arg6[%multiple_of3A_22] : memref<6144xi32, #tpu.memory_space<vmem>> -> memref<2048xi32, #tpu.memory_space<vmem>>
    %dma_start3A_29 = tpu.memref_slice %arg2[%multiple_of3A_27] : memref<327680xi32, #tpu.memory_space<hbm>> -> memref<2048xi32, #tpu.memory_space<hbm>>
    %dma_start3A_30 = tpu.memref_slice %arg6[%multiple_of3A_22] : memref<6144xi32, #tpu.memory_space<vmem>> -> memref<2048xi32, #tpu.memory_space<vmem>>
    %dma_start3A_31 = tpu.memref_slice %arg2[%multiple_of3A_27] : memref<327680xi32, #tpu.memory_space<hbm>> -> memref<2048xi32, #tpu.memory_space<hbm>>
    tpu.enqueue_dma source(%dma_start3A_31 : memref<2048xi32, #tpu.memory_space<hbm>>) target(%dma_start3A_30 : memref<2048xi32, #tpu.memory_space<vmem>>) target_semaphore(%arg8 : memref<!tpu.dma_semaphore, #tpu.memory_space<semaphore_mem>>)
    %rem3A_32 = arith.constant 0 : i32
    %rem3A_33 = arith.constant 3 : i32
    %rem3A_34 = arith.remsi %rem3A_32, %rem3A_33 : i32
    %mul3A_35 = arith.constant 2048 : i32
    %mul3A_36 = arith.muli %rem3A_34, %mul3A_35 : i32
    %multiple_of3A_37 = tpu.assume_multiple %mul3A_36, 2048 : i32
    %mul3A_38 = arith.constant 10240 : i32
    %mul3A_39 = arith.muli %add3A, %mul3A_38 : i32
    %add3A_40 = arith.constant 0 : i32
    %add3A_41 = arith.addi %mul3A_39, %add3A_40 : i32
    %multiple_of3A_42 = tpu.assume_multiple %add3A_41, 2048 : i32
    %dma_wait3A = tpu.memref_slice %arg6[%multiple_of3A_37] : memref<6144xi32, #tpu.memory_space<vmem>> -> memref<2048xi32, #tpu.memory_space<vmem>>
    %dma_wait3A_43 = tpu.memref_slice %arg2[%multiple_of3A_42] : memref<327680xi32, #tpu.memory_space<hbm>> -> memref<2048xi32, #tpu.memory_space<hbm>>
    %dma_wait3A_44 = tpu.memref_slice %arg6[%multiple_of3A_37] : memref<6144xi32, #tpu.memory_space<vmem>> -> memref<2048xi32, #tpu.memory_space<vmem>>
    %dma_wait3A_45 = tpu.memref_slice %arg2[%multiple_of3A_42] : memref<327680xi32, #tpu.memory_space<hbm>> -> memref<2048xi32, #tpu.memory_space<hbm>>
    tpu.wait_dma2 semaphore(%arg8 : memref<!tpu.dma_semaphore, #tpu.memory_space<semaphore_mem>>) src(%dma_wait3A_45 : memref<2048xi32, #tpu.memory_space<hbm>>) dst(%dma_wait3A_44 : memref<2048xi32, #tpu.memory_space<vmem>>)
    %scan3A = arith.constant 0 : i32
    %scan3A_46 = arith.constant 0 : i32
    %scan3A_47 = arith.constant 5 : i32
    %scan3A_48 = arith.addi %scan3A_46, %scan3A_47 : i32
    %scan3A_49 = arith.constant 1 : i32
    scf.for %scan3A_142 = %scan3A_46 to %scan3A_48 step %scan3A_49  : i32 {
      %gt3A = arith.constant 0 : i32
      %gt3A_143 = arith.cmpi sgt, %scan3A_142, %gt3A : i32
      %convert_element_type3A = arith.extui %gt3A_143 : i1 to i32
      %cond3A = arith.constant 0 : i32
      %cond3A_144 = arith.cmpi ne, %convert_element_type3A, %cond3A : i32
      scf.if %cond3A_144 {
        %sub3A = arith.constant 1 : i32
        %sub3A_243 = arith.subi %scan3A_142, %sub3A : i32
        %rem3A_244 = arith.constant 3 : i32
        %rem3A_245 = arith.remsi %sub3A_243, %rem3A_244 : i32
        %mul3A_246 = arith.constant 2048 : i32
        %mul3A_247 = arith.muli %rem3A_245, %mul3A_246 : i32
        %multiple_of3A_248 = tpu.assume_multiple %mul3A_247, 2048 : i32
        %add3A_249 = arith.constant 0 : i32
        %add3A_250 = arith.addi %multiple_of3A_248, %add3A_249 : i32
        %dma_wait3A_251 = tpu.memref_slice %arg6[%add3A_250] : memref<6144xi32, #tpu.memory_space<vmem>> -> memref<128xi32, #tpu.memory_space<vmem>>
        %dma_wait3A_252 = arith.constant 0 : i32
        %dma_wait3A_253 = tpu.memref_slice %arg10[%dma_wait3A_252] : memref<10240xf32, #tpu.memory_space<vmem_shared>> -> memref<10240xf32, #tpu.memory_space<vmem_shared>>
        tpu.wait_indirect_dma semaphore(%arg9 : memref<!tpu.dma_semaphore, #tpu.memory_space<semaphore_mem>>) src(%arg7 : memref<128xf32, #tpu.memory_space<vmem>>) dst(%dma_wait3A_253 : memref<10240xf32, #tpu.memory_space<vmem_shared>>)
        %add3A_254 = arith.constant 128 : i32
        %add3A_255 = arith.addi %multiple_of3A_248, %add3A_254 : i32
        %dma_wait3A_256 = tpu.memref_slice %arg6[%add3A_255] : memref<6144xi32, #tpu.memory_space<vmem>> -> memref<128xi32, #tpu.memory_space<vmem>>
        %dma_wait3A_257 = arith.constant 0 : i32
        %dma_wait3A_258 = tpu.memref_slice %arg10[%dma_wait3A_257] : memref<10240xf32, #tpu.memory_space<vmem_shared>> -> memref<10240xf32, #tpu.memory_space<vmem_shared>>
        tpu.wait_indirect_dma semaphore(%arg9 : memref<!tpu.dma_semaphore, #tpu.memory_space<semaphore_mem>>) src(%arg7 : memref<128xf32, #tpu.memory_space<vmem>>) dst(%dma_wait3A_258 : memref<10240xf32, #tpu.memory_space<vmem_shared>>)
        %add3A_259 = arith.constant 256 : i32
        %add3A_260 = arith.addi %multiple_of3A_248, %add3A_259 : i32
        %dma_wait3A_261 = tpu.memref_slice %arg6[%add3A_260] : memref<6144xi32, #tpu.memory_space<vmem>> -> memref<128xi32, #tpu.memory_space<vmem>>
        %dma_wait3A_262 = arith.constant 0 : i32
        %dma_wait3A_263 = tpu.memref_slice %arg10[%dma_wait3A_262] : memref<10240xf32, #tpu.memory_space<vmem_shared>> -> memref<10240xf32, #tpu.memory_space<vmem_shared>>
        tpu.wait_indirect_dma semaphore(%arg9 : memref<!tpu.dma_semaphore, #tpu.memory_space<semaphore_mem>>) src(%arg7 : memref<128xf32, #tpu.memory_space<vmem>>) dst(%dma_wait3A_263 : memref<10240xf32, #tpu.memory_space<vmem_shared>>)
        %add3A_264 = arith.constant 384 : i32
        %add3A_265 = arith.addi %multiple_of3A_248, %add3A_264 : i32
        %dma_wait3A_266 = tpu.memref_slice %arg6[%add3A_265] : memref<6144xi32, #tpu.memory_space<vmem>> -> memref<128xi32, #tpu.memory_space<vmem>>
        %dma_wait3A_267 = arith.constant 0 : i32
        %dma_wait3A_268 = tpu.memref_slice %arg10[%dma_wait3A_267] : memref<10240xf32, #tpu.memory_space<vmem_shared>> -> memref<10240xf32, #tpu.memory_space<vmem_shared>>
        tpu.wait_indirect_dma semaphore(%arg9 : memref<!tpu.dma_semaphore, #tpu.memory_space<semaphore_mem>>) src(%arg7 : memref<128xf32, #tpu.memory_space<vmem>>) dst(%dma_wait3A_268 : memref<10240xf32, #tpu.memory_space<vmem_shared>>)
        %add3A_269 = arith.constant 512 : i32
        %add3A_270 = arith.addi %multiple_of3A_248, %add3A_269 : i32
        %dma_wait3A_271 = tpu.memref_slice %arg6[%add3A_270] : memref<6144xi32, #tpu.memory_space<vmem>> -> memref<128xi32, #tpu.memory_space<vmem>>
        %dma_wait3A_272 = arith.constant 0 : i32
        %dma_wait3A_273 = tpu.memref_slice %arg10[%dma_wait3A_272] : memref<10240xf32, #tpu.memory_space<vmem_shared>> -> memref<10240xf32, #tpu.memory_space<vmem_shared>>
        tpu.wait_indirect_dma semaphore(%arg9 : memref<!tpu.dma_semaphore, #tpu.memory_space<semaphore_mem>>) src(%arg7 : memref<128xf32, #tpu.memory_space<vmem>>) dst(%dma_wait3A_273 : memref<10240xf32, #tpu.memory_space<vmem_shared>>)
        %add3A_274 = arith.constant 640 : i32
        %add3A_275 = arith.addi %multiple_of3A_248, %add3A_274 : i32
        %dma_wait3A_276 = tpu.memref_slice %arg6[%add3A_275] : memref<6144xi32, #tpu.memory_space<vmem>> -> memref<128xi32, #tpu.memory_space<vmem>>
        %dma_wait3A_277 = arith.constant 0 : i32
        %dma_wait3A_278 = tpu.memref_slice %arg10[%dma_wait3A_277] : memref<10240xf32, #tpu.memory_space<vmem_shared>> -> memref<10240xf32, #tpu.memory_space<vmem_shared>>
        tpu.wait_indirect_dma semaphore(%arg9 : memref<!tpu.dma_semaphore, #tpu.memory_space<semaphore_mem>>) src(%arg7 : memref<128xf32, #tpu.memory_space<vmem>>) dst(%dma_wait3A_278 : memref<10240xf32, #tpu.memory_space<vmem_shared>>)
        %add3A_279 = arith.constant 768 : i32
        %add3A_280 = arith.addi %multiple_of3A_248, %add3A_279 : i32
        %dma_wait3A_281 = tpu.memref_slice %arg6[%add3A_280] : memref<6144xi32, #tpu.memory_space<vmem>> -> memref<128xi32, #tpu.memory_space<vmem>>
        %dma_wait3A_282 = arith.constant 0 : i32
        %dma_wait3A_283 = tpu.memref_slice %arg10[%dma_wait3A_282] : memref<10240xf32, #tpu.memory_space<vmem_shared>> -> memref<10240xf32, #tpu.memory_space<vmem_shared>>
        tpu.wait_indirect_dma semaphore(%arg9 : memref<!tpu.dma_semaphore, #tpu.memory_space<semaphore_mem>>) src(%arg7 : memref<128xf32, #tpu.memory_space<vmem>>) dst(%dma_wait3A_283 : memref<10240xf32, #tpu.memory_space<vmem_shared>>)
        %add3A_284 = arith.constant 896 : i32
        %add3A_285 = arith.addi %multiple_of3A_248, %add3A_284 : i32
        %dma_wait3A_286 = tpu.memref_slice %arg6[%add3A_285] : memref<6144xi32, #tpu.memory_space<vmem>> -> memref<128xi32, #tpu.memory_space<vmem>>
        %dma_wait3A_287 = arith.constant 0 : i32
        %dma_wait3A_288 = tpu.memref_slice %arg10[%dma_wait3A_287] : memref<10240xf32, #tpu.memory_space<vmem_shared>> -> memref<10240xf32, #tpu.memory_space<vmem_shared>>
        tpu.wait_indirect_dma semaphore(%arg9 : memref<!tpu.dma_semaphore, #tpu.memory_space<semaphore_mem>>) src(%arg7 : memref<128xf32, #tpu.memory_space<vmem>>) dst(%dma_wait3A_288 : memref<10240xf32, #tpu.memory_space<vmem_shared>>)
        %add3A_289 = arith.constant 1024 : i32
        %add3A_290 = arith.addi %multiple_of3A_248, %add3A_289 : i32
        %dma_wait3A_291 = tpu.memref_slice %arg6[%add3A_290] : memref<6144xi32, #tpu.memory_space<vmem>> -> memref<128xi32, #tpu.memory_space<vmem>>
        %dma_wait3A_292 = arith.constant 0 : i32
        %dma_wait3A_293 = tpu.memref_slice %arg10[%dma_wait3A_292] : memref<10240xf32, #tpu.memory_space<vmem_shared>> -> memref<10240xf32, #tpu.memory_space<vmem_shared>>
        tpu.wait_indirect_dma semaphore(%arg9 : memref<!tpu.dma_semaphore, #tpu.memory_space<semaphore_mem>>) src(%arg7 : memref<128xf32, #tpu.memory_space<vmem>>) dst(%dma_wait3A_293 : memref<10240xf32, #tpu.memory_space<vmem_shared>>)
        %add3A_294 = arith.constant 1152 : i32
        %add3A_295 = arith.addi %multiple_of3A_248, %add3A_294 : i32
        %dma_wait3A_296 = tpu.memref_slice %arg6[%add3A_295] : memref<6144xi32, #tpu.memory_space<vmem>> -> memref<128xi32, #tpu.memory_space<vmem>>
        %dma_wait3A_297 = arith.constant 0 : i32
        %dma_wait3A_298 = tpu.memref_slice %arg10[%dma_wait3A_297] : memref<10240xf32, #tpu.memory_space<vmem_shared>> -> memref<10240xf32, #tpu.memory_space<vmem_shared>>
        tpu.wait_indirect_dma semaphore(%arg9 : memref<!tpu.dma_semaphore, #tpu.memory_space<semaphore_mem>>) src(%arg7 : memref<128xf32, #tpu.memory_space<vmem>>) dst(%dma_wait3A_298 : memref<10240xf32, #tpu.memory_space<vmem_shared>>)
        %add3A_299 = arith.constant 1280 : i32
        %add3A_300 = arith.addi %multiple_of3A_248, %add3A_299 : i32
        %dma_wait3A_301 = tpu.memref_slice %arg6[%add3A_300] : memref<6144xi32, #tpu.memory_space<vmem>> -> memref<128xi32, #tpu.memory_space<vmem>>
        %dma_wait3A_302 = arith.constant 0 : i32
        %dma_wait3A_303 = tpu.memref_slice %arg10[%dma_wait3A_302] : memref<10240xf32, #tpu.memory_space<vmem_shared>> -> memref<10240xf32, #tpu.memory_space<vmem_shared>>
        tpu.wait_indirect_dma semaphore(%arg9 : memref<!tpu.dma_semaphore, #tpu.memory_space<semaphore_mem>>) src(%arg7 : memref<128xf32, #tpu.memory_space<vmem>>) dst(%dma_wait3A_303 : memref<10240xf32, #tpu.memory_space<vmem_shared>>)
        %add3A_304 = arith.constant 1408 : i32
        %add3A_305 = arith.addi %multiple_of3A_248, %add3A_304 : i32
        %dma_wait3A_306 = tpu.memref_slice %arg6[%add3A_305] : memref<6144xi32, #tpu.memory_space<vmem>> -> memref<128xi32, #tpu.memory_space<vmem>>
        %dma_wait3A_307 = arith.constant 0 : i32
        %dma_wait3A_308 = tpu.memref_slice %arg10[%dma_wait3A_307] : memref<10240xf32, #tpu.memory_space<vmem_shared>> -> memref<10240xf32, #tpu.memory_space<vmem_shared>>
        tpu.wait_indirect_dma semaphore(%arg9 : memref<!tpu.dma_semaphore, #tpu.memory_space<semaphore_mem>>) src(%arg7 : memref<128xf32, #tpu.memory_space<vmem>>) dst(%dma_wait3A_308 : memref<10240xf32, #tpu.memory_space<vmem_shared>>)
        %add3A_309 = arith.constant 1536 : i32
        %add3A_310 = arith.addi %multiple_of3A_248, %add3A_309 : i32
        %dma_wait3A_311 = tpu.memref_slice %arg6[%add3A_310] : memref<6144xi32, #tpu.memory_space<vmem>> -> memref<128xi32, #tpu.memory_space<vmem>>
        %dma_wait3A_312 = arith.constant 0 : i32
        %dma_wait3A_313 = tpu.memref_slice %arg10[%dma_wait3A_312] : memref<10240xf32, #tpu.memory_space<vmem_shared>> -> memref<10240xf32, #tpu.memory_space<vmem_shared>>
        tpu.wait_indirect_dma semaphore(%arg9 : memref<!tpu.dma_semaphore, #tpu.memory_space<semaphore_mem>>) src(%arg7 : memref<128xf32, #tpu.memory_space<vmem>>) dst(%dma_wait3A_313 : memref<10240xf32, #tpu.memory_space<vmem_shared>>)
        %add3A_314 = arith.constant 1664 : i32
        %add3A_315 = arith.addi %multiple_of3A_248, %add3A_314 : i32
        %dma_wait3A_316 = tpu.memref_slice %arg6[%add3A_315] : memref<6144xi32, #tpu.memory_space<vmem>> -> memref<128xi32, #tpu.memory_space<vmem>>
        %dma_wait3A_317 = arith.constant 0 : i32
        %dma_wait3A_318 = tpu.memref_slice %arg10[%dma_wait3A_317] : memref<10240xf32, #tpu.memory_space<vmem_shared>> -> memref<10240xf32, #tpu.memory_space<vmem_shared>>
        tpu.wait_indirect_dma semaphore(%arg9 : memref<!tpu.dma_semaphore, #tpu.memory_space<semaphore_mem>>) src(%arg7 : memref<128xf32, #tpu.memory_space<vmem>>) dst(%dma_wait3A_318 : memref<10240xf32, #tpu.memory_space<vmem_shared>>)
        %add3A_319 = arith.constant 1792 : i32
        %add3A_320 = arith.addi %multiple_of3A_248, %add3A_319 : i32
        %dma_wait3A_321 = tpu.memref_slice %arg6[%add3A_320] : memref<6144xi32, #tpu.memory_space<vmem>> -> memref<128xi32, #tpu.memory_space<vmem>>
        %dma_wait3A_322 = arith.constant 0 : i32
        %dma_wait3A_323 = tpu.memref_slice %arg10[%dma_wait3A_322] : memref<10240xf32, #tpu.memory_space<vmem_shared>> -> memref<10240xf32, #tpu.memory_space<vmem_shared>>
        tpu.wait_indirect_dma semaphore(%arg9 : memref<!tpu.dma_semaphore, #tpu.memory_space<semaphore_mem>>) src(%arg7 : memref<128xf32, #tpu.memory_space<vmem>>) dst(%dma_wait3A_323 : memref<10240xf32, #tpu.memory_space<vmem_shared>>)
        %add3A_324 = arith.constant 1920 : i32
        %add3A_325 = arith.addi %multiple_of3A_248, %add3A_324 : i32
        %dma_wait3A_326 = tpu.memref_slice %arg6[%add3A_325] : memref<6144xi32, #tpu.memory_space<vmem>> -> memref<128xi32, #tpu.memory_space<vmem>>
        %dma_wait3A_327 = arith.constant 0 : i32
        %dma_wait3A_328 = tpu.memref_slice %arg10[%dma_wait3A_327] : memref<10240xf32, #tpu.memory_space<vmem_shared>> -> memref<10240xf32, #tpu.memory_space<vmem_shared>>
        tpu.wait_indirect_dma semaphore(%arg9 : memref<!tpu.dma_semaphore, #tpu.memory_space<semaphore_mem>>) src(%arg7 : memref<128xf32, #tpu.memory_space<vmem>>) dst(%dma_wait3A_328 : memref<10240xf32, #tpu.memory_space<vmem_shared>>)
      } else {
      }
      %add3A_145 = arith.constant 1 : i32
      %add3A_146 = arith.addi %scan3A_142, %add3A_145 : i32
      %lt3A = arith.constant 5 : i32
      %lt3A_147 = arith.cmpi slt, %add3A_146, %lt3A : i32
      %convert_element_type3A_148 = arith.extui %lt3A_147 : i1 to i32
      %cond3A_149 = arith.constant 0 : i32
      %cond3A_150 = arith.cmpi ne, %convert_element_type3A_148, %cond3A_149 : i32
      scf.if %cond3A_150 {
        %add3A_243 = arith.constant 1 : i32
        %add3A_244 = arith.addi %scan3A_142, %add3A_243 : i32
        %rem3A_245 = arith.constant 3 : i32
        %rem3A_246 = arith.remsi %add3A_244, %rem3A_245 : i32
        %mul3A_247 = arith.constant 2048 : i32
        %mul3A_248 = arith.muli %rem3A_246, %mul3A_247 : i32
        %multiple_of3A_249 = tpu.assume_multiple %mul3A_248, 2048 : i32
        %mul3A_250 = arith.constant 10240 : i32
        %mul3A_251 = arith.muli %add3A, %mul3A_250 : i32
        %mul3A_252 = arith.constant 2048 : i32
        %mul3A_253 = arith.muli %add3A_244, %mul3A_252 : i32
        %add3A_254 = arith.addi %mul3A_251, %mul3A_253 : i32
        %multiple_of3A_255 = tpu.assume_multiple %add3A_254, 2048 : i32
        %dma_wait3A_256 = tpu.memref_slice %arg6[%multiple_of3A_249] : memref<6144xi32, #tpu.memory_space<vmem>> -> memref<2048xi32, #tpu.memory_space<vmem>>
        %dma_wait3A_257 = tpu.memref_slice %arg2[%multiple_of3A_255] : memref<327680xi32, #tpu.memory_space<hbm>> -> memref<2048xi32, #tpu.memory_space<hbm>>
        %dma_wait3A_258 = tpu.memref_slice %arg6[%multiple_of3A_249] : memref<6144xi32, #tpu.memory_space<vmem>> -> memref<2048xi32, #tpu.memory_space<vmem>>
        %dma_wait3A_259 = tpu.memref_slice %arg2[%multiple_of3A_255] : memref<327680xi32, #tpu.memory_space<hbm>> -> memref<2048xi32, #tpu.memory_space<hbm>>
        tpu.wait_dma2 semaphore(%arg8 : memref<!tpu.dma_semaphore, #tpu.memory_space<semaphore_mem>>) src(%dma_wait3A_259 : memref<2048xi32, #tpu.memory_space<hbm>>) dst(%dma_wait3A_258 : memref<2048xi32, #tpu.memory_space<vmem>>)
      } else {
      }
      %add3A_151 = arith.constant 2 : i32
      %add3A_152 = arith.addi %scan3A_142, %add3A_151 : i32
      %lt3A_153 = arith.constant 5 : i32
      %lt3A_154 = arith.cmpi slt, %add3A_152, %lt3A_153 : i32
      %convert_element_type3A_155 = arith.extui %lt3A_154 : i1 to i32
      %cond3A_156 = arith.constant 0 : i32
      %cond3A_157 = arith.cmpi ne, %convert_element_type3A_155, %cond3A_156 : i32
      scf.if %cond3A_157 {
        %add3A_243 = arith.constant 2 : i32
        %add3A_244 = arith.addi %scan3A_142, %add3A_243 : i32
        %rem3A_245 = arith.constant 3 : i32
        %rem3A_246 = arith.remsi %add3A_244, %rem3A_245 : i32
        %mul3A_247 = arith.constant 2048 : i32
        %mul3A_248 = arith.muli %rem3A_246, %mul3A_247 : i32
        %multiple_of3A_249 = tpu.assume_multiple %mul3A_248, 2048 : i32
        %mul3A_250 = arith.constant 10240 : i32
        %mul3A_251 = arith.muli %add3A, %mul3A_250 : i32
        %mul3A_252 = arith.constant 2048 : i32
        %mul3A_253 = arith.muli %add3A_244, %mul3A_252 : i32
        %add3A_254 = arith.addi %mul3A_251, %mul3A_253 : i32
        %multiple_of3A_255 = tpu.assume_multiple %add3A_254, 2048 : i32
        %dma_start3A_256 = tpu.memref_slice %arg6[%multiple_of3A_249] : memref<6144xi32, #tpu.memory_space<vmem>> -> memref<2048xi32, #tpu.memory_space<vmem>>
        %dma_start3A_257 = tpu.memref_slice %arg2[%multiple_of3A_255] : memref<327680xi32, #tpu.memory_space<hbm>> -> memref<2048xi32, #tpu.memory_space<hbm>>
        %dma_start3A_258 = tpu.memref_slice %arg6[%multiple_of3A_249] : memref<6144xi32, #tpu.memory_space<vmem>> -> memref<2048xi32, #tpu.memory_space<vmem>>
        %dma_start3A_259 = tpu.memref_slice %arg2[%multiple_of3A_255] : memref<327680xi32, #tpu.memory_space<hbm>> -> memref<2048xi32, #tpu.memory_space<hbm>>
        tpu.enqueue_dma source(%dma_start3A_259 : memref<2048xi32, #tpu.memory_space<hbm>>) target(%dma_start3A_258 : memref<2048xi32, #tpu.memory_space<vmem>>) target_semaphore(%arg8 : memref<!tpu.dma_semaphore, #tpu.memory_space<semaphore_mem>>)
      } else {
      }
      %rem3A_158 = arith.constant 3 : i32
      %rem3A_159 = arith.remsi %scan3A_142, %rem3A_158 : i32
      %mul3A_160 = arith.constant 2048 : i32
      %mul3A_161 = arith.muli %rem3A_159, %mul3A_160 : i32
      %multiple_of3A_162 = tpu.assume_multiple %mul3A_161, 2048 : i32
      %add3A_163 = arith.constant 0 : i32
      %add3A_164 = arith.addi %multiple_of3A_162, %add3A_163 : i32
      %dma_start3A_165 = tpu.memref_slice %arg6[%add3A_164] : memref<6144xi32, #tpu.memory_space<vmem>> -> memref<128xi32, #tpu.memory_space<vmem>>
      %dma_start3A_166 = arith.constant 0 : i32
      %dma_start3A_167 = tpu.memref_slice %arg10[%dma_start3A_166] : memref<10240xf32, #tpu.memory_space<vmem_shared>> -> memref<10240xf32, #tpu.memory_space<vmem_shared>>
      tpu.enqueue_indirect_dma source(%arg7 : memref<128xf32, #tpu.memory_space<vmem>>) target(%dma_start3A_167 : memref<10240xf32, #tpu.memory_space<vmem_shared>>) offsets(%dma_start3A_165 : memref<128xi32, #tpu.memory_space<vmem>>) semaphore(%arg9 : memref<!tpu.dma_semaphore, #tpu.memory_space<semaphore_mem>>) {add = true}
      %add3A_168 = arith.constant 128 : i32
      %add3A_169 = arith.addi %multiple_of3A_162, %add3A_168 : i32
      %dma_start3A_170 = tpu.memref_slice %arg6[%add3A_169] : memref<6144xi32, #tpu.memory_space<vmem>> -> memref<128xi32, #tpu.memory_space<vmem>>
      %dma_start3A_171 = arith.constant 0 : i32
      %dma_start3A_172 = tpu.memref_slice %arg10[%dma_start3A_171] : memref<10240xf32, #tpu.memory_space<vmem_shared>> -> memref<10240xf32, #tpu.memory_space<vmem_shared>>
      tpu.enqueue_indirect_dma source(%arg7 : memref<128xf32, #tpu.memory_space<vmem>>) target(%dma_start3A_172 : memref<10240xf32, #tpu.memory_space<vmem_shared>>) offsets(%dma_start3A_170 : memref<128xi32, #tpu.memory_space<vmem>>) semaphore(%arg9 : memref<!tpu.dma_semaphore, #tpu.memory_space<semaphore_mem>>) {add = true}
      %add3A_173 = arith.constant 256 : i32
      %add3A_174 = arith.addi %multiple_of3A_162, %add3A_173 : i32
      %dma_start3A_175 = tpu.memref_slice %arg6[%add3A_174] : memref<6144xi32, #tpu.memory_space<vmem>> -> memref<128xi32, #tpu.memory_space<vmem>>
      %dma_start3A_176 = arith.constant 0 : i32
      %dma_start3A_177 = tpu.memref_slice %arg10[%dma_start3A_176] : memref<10240xf32, #tpu.memory_space<vmem_shared>> -> memref<10240xf32, #tpu.memory_space<vmem_shared>>
      tpu.enqueue_indirect_dma source(%arg7 : memref<128xf32, #tpu.memory_space<vmem>>) target(%dma_start3A_177 : memref<10240xf32, #tpu.memory_space<vmem_shared>>) offsets(%dma_start3A_175 : memref<128xi32, #tpu.memory_space<vmem>>) semaphore(%arg9 : memref<!tpu.dma_semaphore, #tpu.memory_space<semaphore_mem>>) {add = true}
      %add3A_178 = arith.constant 384 : i32
      %add3A_179 = arith.addi %multiple_of3A_162, %add3A_178 : i32
      %dma_start3A_180 = tpu.memref_slice %arg6[%add3A_179] : memref<6144xi32, #tpu.memory_space<vmem>> -> memref<128xi32, #tpu.memory_space<vmem>>
      %dma_start3A_181 = arith.constant 0 : i32
      %dma_start3A_182 = tpu.memref_slice %arg10[%dma_start3A_181] : memref<10240xf32, #tpu.memory_space<vmem_shared>> -> memref<10240xf32, #tpu.memory_space<vmem_shared>>
      tpu.enqueue_indirect_dma source(%arg7 : memref<128xf32, #tpu.memory_space<vmem>>) target(%dma_start3A_182 : memref<10240xf32, #tpu.memory_space<vmem_shared>>) offsets(%dma_start3A_180 : memref<128xi32, #tpu.memory_space<vmem>>) semaphore(%arg9 : memref<!tpu.dma_semaphore, #tpu.memory_space<semaphore_mem>>) {add = true}
      %add3A_183 = arith.constant 512 : i32
      %add3A_184 = arith.addi %multiple_of3A_162, %add3A_183 : i32
      %dma_start3A_185 = tpu.memref_slice %arg6[%add3A_184] : memref<6144xi32, #tpu.memory_space<vmem>> -> memref<128xi32, #tpu.memory_space<vmem>>
      %dma_start3A_186 = arith.constant 0 : i32
      %dma_start3A_187 = tpu.memref_slice %arg10[%dma_start3A_186] : memref<10240xf32, #tpu.memory_space<vmem_shared>> -> memref<10240xf32, #tpu.memory_space<vmem_shared>>
      tpu.enqueue_indirect_dma source(%arg7 : memref<128xf32, #tpu.memory_space<vmem>>) target(%dma_start3A_187 : memref<10240xf32, #tpu.memory_space<vmem_shared>>) offsets(%dma_start3A_185 : memref<128xi32, #tpu.memory_space<vmem>>) semaphore(%arg9 : memref<!tpu.dma_semaphore, #tpu.memory_space<semaphore_mem>>) {add = true}
      %add3A_188 = arith.constant 640 : i32
      %add3A_189 = arith.addi %multiple_of3A_162, %add3A_188 : i32
      %dma_start3A_190 = tpu.memref_slice %arg6[%add3A_189] : memref<6144xi32, #tpu.memory_space<vmem>> -> memref<128xi32, #tpu.memory_space<vmem>>
      %dma_start3A_191 = arith.constant 0 : i32
      %dma_start3A_192 = tpu.memref_slice %arg10[%dma_start3A_191] : memref<10240xf32, #tpu.memory_space<vmem_shared>> -> memref<10240xf32, #tpu.memory_space<vmem_shared>>
      tpu.enqueue_indirect_dma source(%arg7 : memref<128xf32, #tpu.memory_space<vmem>>) target(%dma_start3A_192 : memref<10240xf32, #tpu.memory_space<vmem_shared>>) offsets(%dma_start3A_190 : memref<128xi32, #tpu.memory_space<vmem>>) semaphore(%arg9 : memref<!tpu.dma_semaphore, #tpu.memory_space<semaphore_mem>>) {add = true}
      %add3A_193 = arith.constant 768 : i32
      %add3A_194 = arith.addi %multiple_of3A_162, %add3A_193 : i32
      %dma_start3A_195 = tpu.memref_slice %arg6[%add3A_194] : memref<6144xi32, #tpu.memory_space<vmem>> -> memref<128xi32, #tpu.memory_space<vmem>>
      %dma_start3A_196 = arith.constant 0 : i32
      %dma_start3A_197 = tpu.memref_slice %arg10[%dma_start3A_196] : memref<10240xf32, #tpu.memory_space<vmem_shared>> -> memref<10240xf32, #tpu.memory_space<vmem_shared>>
      tpu.enqueue_indirect_dma source(%arg7 : memref<128xf32, #tpu.memory_space<vmem>>) target(%dma_start3A_197 : memref<10240xf32, #tpu.memory_space<vmem_shared>>) offsets(%dma_start3A_195 : memref<128xi32, #tpu.memory_space<vmem>>) semaphore(%arg9 : memref<!tpu.dma_semaphore, #tpu.memory_space<semaphore_mem>>) {add = true}
      %add3A_198 = arith.constant 896 : i32
      %add3A_199 = arith.addi %multiple_of3A_162, %add3A_198 : i32
      %dma_start3A_200 = tpu.memref_slice %arg6[%add3A_199] : memref<6144xi32, #tpu.memory_space<vmem>> -> memref<128xi32, #tpu.memory_space<vmem>>
      %dma_start3A_201 = arith.constant 0 : i32
      %dma_start3A_202 = tpu.memref_slice %arg10[%dma_start3A_201] : memref<10240xf32, #tpu.memory_space<vmem_shared>> -> memref<10240xf32, #tpu.memory_space<vmem_shared>>
      tpu.enqueue_indirect_dma source(%arg7 : memref<128xf32, #tpu.memory_space<vmem>>) target(%dma_start3A_202 : memref<10240xf32, #tpu.memory_space<vmem_shared>>) offsets(%dma_start3A_200 : memref<128xi32, #tpu.memory_space<vmem>>) semaphore(%arg9 : memref<!tpu.dma_semaphore, #tpu.memory_space<semaphore_mem>>) {add = true}
      %add3A_203 = arith.constant 1024 : i32
      %add3A_204 = arith.addi %multiple_of3A_162, %add3A_203 : i32
      %dma_start3A_205 = tpu.memref_slice %arg6[%add3A_204] : memref<6144xi32, #tpu.memory_space<vmem>> -> memref<128xi32, #tpu.memory_space<vmem>>
      %dma_start3A_206 = arith.constant 0 : i32
      %dma_start3A_207 = tpu.memref_slice %arg10[%dma_start3A_206] : memref<10240xf32, #tpu.memory_space<vmem_shared>> -> memref<10240xf32, #tpu.memory_space<vmem_shared>>
      tpu.enqueue_indirect_dma source(%arg7 : memref<128xf32, #tpu.memory_space<vmem>>) target(%dma_start3A_207 : memref<10240xf32, #tpu.memory_space<vmem_shared>>) offsets(%dma_start3A_205 : memref<128xi32, #tpu.memory_space<vmem>>) semaphore(%arg9 : memref<!tpu.dma_semaphore, #tpu.memory_space<semaphore_mem>>) {add = true}
      %add3A_208 = arith.constant 1152 : i32
      %add3A_209 = arith.addi %multiple_of3A_162, %add3A_208 : i32
      %dma_start3A_210 = tpu.memref_slice %arg6[%add3A_209] : memref<6144xi32, #tpu.memory_space<vmem>> -> memref<128xi32, #tpu.memory_space<vmem>>
      %dma_start3A_211 = arith.constant 0 : i32
      %dma_start3A_212 = tpu.memref_slice %arg10[%dma_start3A_211] : memref<10240xf32, #tpu.memory_space<vmem_shared>> -> memref<10240xf32, #tpu.memory_space<vmem_shared>>
      tpu.enqueue_indirect_dma source(%arg7 : memref<128xf32, #tpu.memory_space<vmem>>) target(%dma_start3A_212 : memref<10240xf32, #tpu.memory_space<vmem_shared>>) offsets(%dma_start3A_210 : memref<128xi32, #tpu.memory_space<vmem>>) semaphore(%arg9 : memref<!tpu.dma_semaphore, #tpu.memory_space<semaphore_mem>>) {add = true}
      %add3A_213 = arith.constant 1280 : i32
      %add3A_214 = arith.addi %multiple_of3A_162, %add3A_213 : i32
      %dma_start3A_215 = tpu.memref_slice %arg6[%add3A_214] : memref<6144xi32, #tpu.memory_space<vmem>> -> memref<128xi32, #tpu.memory_space<vmem>>
      %dma_start3A_216 = arith.constant 0 : i32
      %dma_start3A_217 = tpu.memref_slice %arg10[%dma_start3A_216] : memref<10240xf32, #tpu.memory_space<vmem_shared>> -> memref<10240xf32, #tpu.memory_space<vmem_shared>>
      tpu.enqueue_indirect_dma source(%arg7 : memref<128xf32, #tpu.memory_space<vmem>>) target(%dma_start3A_217 : memref<10240xf32, #tpu.memory_space<vmem_shared>>) offsets(%dma_start3A_215 : memref<128xi32, #tpu.memory_space<vmem>>) semaphore(%arg9 : memref<!tpu.dma_semaphore, #tpu.memory_space<semaphore_mem>>) {add = true}
      %add3A_218 = arith.constant 1408 : i32
      %add3A_219 = arith.addi %multiple_of3A_162, %add3A_218 : i32
      %dma_start3A_220 = tpu.memref_slice %arg6[%add3A_219] : memref<6144xi32, #tpu.memory_space<vmem>> -> memref<128xi32, #tpu.memory_space<vmem>>
      %dma_start3A_221 = arith.constant 0 : i32
      %dma_start3A_222 = tpu.memref_slice %arg10[%dma_start3A_221] : memref<10240xf32, #tpu.memory_space<vmem_shared>> -> memref<10240xf32, #tpu.memory_space<vmem_shared>>
      tpu.enqueue_indirect_dma source(%arg7 : memref<128xf32, #tpu.memory_space<vmem>>) target(%dma_start3A_222 : memref<10240xf32, #tpu.memory_space<vmem_shared>>) offsets(%dma_start3A_220 : memref<128xi32, #tpu.memory_space<vmem>>) semaphore(%arg9 : memref<!tpu.dma_semaphore, #tpu.memory_space<semaphore_mem>>) {add = true}
      %add3A_223 = arith.constant 1536 : i32
      %add3A_224 = arith.addi %multiple_of3A_162, %add3A_223 : i32
      %dma_start3A_225 = tpu.memref_slice %arg6[%add3A_224] : memref<6144xi32, #tpu.memory_space<vmem>> -> memref<128xi32, #tpu.memory_space<vmem>>
      %dma_start3A_226 = arith.constant 0 : i32
      %dma_start3A_227 = tpu.memref_slice %arg10[%dma_start3A_226] : memref<10240xf32, #tpu.memory_space<vmem_shared>> -> memref<10240xf32, #tpu.memory_space<vmem_shared>>
      tpu.enqueue_indirect_dma source(%arg7 : memref<128xf32, #tpu.memory_space<vmem>>) target(%dma_start3A_227 : memref<10240xf32, #tpu.memory_space<vmem_shared>>) offsets(%dma_start3A_225 : memref<128xi32, #tpu.memory_space<vmem>>) semaphore(%arg9 : memref<!tpu.dma_semaphore, #tpu.memory_space<semaphore_mem>>) {add = true}
      %add3A_228 = arith.constant 1664 : i32
      %add3A_229 = arith.addi %multiple_of3A_162, %add3A_228 : i32
      %dma_start3A_230 = tpu.memref_slice %arg6[%add3A_229] : memref<6144xi32, #tpu.memory_space<vmem>> -> memref<128xi32, #tpu.memory_space<vmem>>
      %dma_start3A_231 = arith.constant 0 : i32
      %dma_start3A_232 = tpu.memref_slice %arg10[%dma_start3A_231] : memref<10240xf32, #tpu.memory_space<vmem_shared>> -> memref<10240xf32, #tpu.memory_space<vmem_shared>>
      tpu.enqueue_indirect_dma source(%arg7 : memref<128xf32, #tpu.memory_space<vmem>>) target(%dma_start3A_232 : memref<10240xf32, #tpu.memory_space<vmem_shared>>) offsets(%dma_start3A_230 : memref<128xi32, #tpu.memory_space<vmem>>) semaphore(%arg9 : memref<!tpu.dma_semaphore, #tpu.memory_space<semaphore_mem>>) {add = true}
      %add3A_233 = arith.constant 1792 : i32
      %add3A_234 = arith.addi %multiple_of3A_162, %add3A_233 : i32
      %dma_start3A_235 = tpu.memref_slice %arg6[%add3A_234] : memref<6144xi32, #tpu.memory_space<vmem>> -> memref<128xi32, #tpu.memory_space<vmem>>
      %dma_start3A_236 = arith.constant 0 : i32
      %dma_start3A_237 = tpu.memref_slice %arg10[%dma_start3A_236] : memref<10240xf32, #tpu.memory_space<vmem_shared>> -> memref<10240xf32, #tpu.memory_space<vmem_shared>>
      tpu.enqueue_indirect_dma source(%arg7 : memref<128xf32, #tpu.memory_space<vmem>>) target(%dma_start3A_237 : memref<10240xf32, #tpu.memory_space<vmem_shared>>) offsets(%dma_start3A_235 : memref<128xi32, #tpu.memory_space<vmem>>) semaphore(%arg9 : memref<!tpu.dma_semaphore, #tpu.memory_space<semaphore_mem>>) {add = true}
      %add3A_238 = arith.constant 1920 : i32
      %add3A_239 = arith.addi %multiple_of3A_162, %add3A_238 : i32
      %dma_start3A_240 = tpu.memref_slice %arg6[%add3A_239] : memref<6144xi32, #tpu.memory_space<vmem>> -> memref<128xi32, #tpu.memory_space<vmem>>
      %dma_start3A_241 = arith.constant 0 : i32
      %dma_start3A_242 = tpu.memref_slice %arg10[%dma_start3A_241] : memref<10240xf32, #tpu.memory_space<vmem_shared>> -> memref<10240xf32, #tpu.memory_space<vmem_shared>>
      tpu.enqueue_indirect_dma source(%arg7 : memref<128xf32, #tpu.memory_space<vmem>>) target(%dma_start3A_242 : memref<10240xf32, #tpu.memory_space<vmem_shared>>) offsets(%dma_start3A_240 : memref<128xi32, #tpu.memory_space<vmem>>) semaphore(%arg9 : memref<!tpu.dma_semaphore, #tpu.memory_space<semaphore_mem>>) {add = true}
    }
    %scan3A_50 = arith.constant 5 : i32
    %rem3A_51 = arith.constant 4 : i32
    %rem3A_52 = arith.constant 3 : i32
    %rem3A_53 = arith.remsi %rem3A_51, %rem3A_52 : i32
    %mul3A_54 = arith.constant 2048 : i32
    %mul3A_55 = arith.muli %rem3A_53, %mul3A_54 : i32
    %multiple_of3A_56 = tpu.assume_multiple %mul3A_55, 2048 : i32
    %add3A_57 = arith.constant 0 : i32
    %add3A_58 = arith.addi %multiple_of3A_56, %add3A_57 : i32
    %dma_wait3A_59 = tpu.memref_slice %arg6[%add3A_58] : memref<6144xi32, #tpu.memory_space<vmem>> -> memref<128xi32, #tpu.memory_space<vmem>>
    %dma_wait3A_60 = arith.constant 0 : i32
    %dma_wait3A_61 = tpu.memref_slice %arg10[%dma_wait3A_60] : memref<10240xf32, #tpu.memory_space<vmem_shared>> -> memref<10240xf32, #tpu.memory_space<vmem_shared>>
    tpu.wait_indirect_dma semaphore(%arg9 : memref<!tpu.dma_semaphore, #tpu.memory_space<semaphore_mem>>) src(%arg7 : memref<128xf32, #tpu.memory_space<vmem>>) dst(%dma_wait3A_61 : memref<10240xf32, #tpu.memory_space<vmem_shared>>)
    %add3A_62 = arith.constant 128 : i32
    %add3A_63 = arith.addi %multiple_of3A_56, %add3A_62 : i32
    %dma_wait3A_64 = tpu.memref_slice %arg6[%add3A_63] : memref<6144xi32, #tpu.memory_space<vmem>> -> memref<128xi32, #tpu.memory_space<vmem>>
    %dma_wait3A_65 = arith.constant 0 : i32
    %dma_wait3A_66 = tpu.memref_slice %arg10[%dma_wait3A_65] : memref<10240xf32, #tpu.memory_space<vmem_shared>> -> memref<10240xf32, #tpu.memory_space<vmem_shared>>
    tpu.wait_indirect_dma semaphore(%arg9 : memref<!tpu.dma_semaphore, #tpu.memory_space<semaphore_mem>>) src(%arg7 : memref<128xf32, #tpu.memory_space<vmem>>) dst(%dma_wait3A_66 : memref<10240xf32, #tpu.memory_space<vmem_shared>>)
    %add3A_67 = arith.constant 256 : i32
    %add3A_68 = arith.addi %multiple_of3A_56, %add3A_67 : i32
    %dma_wait3A_69 = tpu.memref_slice %arg6[%add3A_68] : memref<6144xi32, #tpu.memory_space<vmem>> -> memref<128xi32, #tpu.memory_space<vmem>>
    %dma_wait3A_70 = arith.constant 0 : i32
    %dma_wait3A_71 = tpu.memref_slice %arg10[%dma_wait3A_70] : memref<10240xf32, #tpu.memory_space<vmem_shared>> -> memref<10240xf32, #tpu.memory_space<vmem_shared>>
    tpu.wait_indirect_dma semaphore(%arg9 : memref<!tpu.dma_semaphore, #tpu.memory_space<semaphore_mem>>) src(%arg7 : memref<128xf32, #tpu.memory_space<vmem>>) dst(%dma_wait3A_71 : memref<10240xf32, #tpu.memory_space<vmem_shared>>)
    %add3A_72 = arith.constant 384 : i32
    %add3A_73 = arith.addi %multiple_of3A_56, %add3A_72 : i32
    %dma_wait3A_74 = tpu.memref_slice %arg6[%add3A_73] : memref<6144xi32, #tpu.memory_space<vmem>> -> memref<128xi32, #tpu.memory_space<vmem>>
    %dma_wait3A_75 = arith.constant 0 : i32
    %dma_wait3A_76 = tpu.memref_slice %arg10[%dma_wait3A_75] : memref<10240xf32, #tpu.memory_space<vmem_shared>> -> memref<10240xf32, #tpu.memory_space<vmem_shared>>
    tpu.wait_indirect_dma semaphore(%arg9 : memref<!tpu.dma_semaphore, #tpu.memory_space<semaphore_mem>>) src(%arg7 : memref<128xf32, #tpu.memory_space<vmem>>) dst(%dma_wait3A_76 : memref<10240xf32, #tpu.memory_space<vmem_shared>>)
    %add3A_77 = arith.constant 512 : i32
    %add3A_78 = arith.addi %multiple_of3A_56, %add3A_77 : i32
    %dma_wait3A_79 = tpu.memref_slice %arg6[%add3A_78] : memref<6144xi32, #tpu.memory_space<vmem>> -> memref<128xi32, #tpu.memory_space<vmem>>
    %dma_wait3A_80 = arith.constant 0 : i32
    %dma_wait3A_81 = tpu.memref_slice %arg10[%dma_wait3A_80] : memref<10240xf32, #tpu.memory_space<vmem_shared>> -> memref<10240xf32, #tpu.memory_space<vmem_shared>>
    tpu.wait_indirect_dma semaphore(%arg9 : memref<!tpu.dma_semaphore, #tpu.memory_space<semaphore_mem>>) src(%arg7 : memref<128xf32, #tpu.memory_space<vmem>>) dst(%dma_wait3A_81 : memref<10240xf32, #tpu.memory_space<vmem_shared>>)
    %add3A_82 = arith.constant 640 : i32
    %add3A_83 = arith.addi %multiple_of3A_56, %add3A_82 : i32
    %dma_wait3A_84 = tpu.memref_slice %arg6[%add3A_83] : memref<6144xi32, #tpu.memory_space<vmem>> -> memref<128xi32, #tpu.memory_space<vmem>>
    %dma_wait3A_85 = arith.constant 0 : i32
    %dma_wait3A_86 = tpu.memref_slice %arg10[%dma_wait3A_85] : memref<10240xf32, #tpu.memory_space<vmem_shared>> -> memref<10240xf32, #tpu.memory_space<vmem_shared>>
    tpu.wait_indirect_dma semaphore(%arg9 : memref<!tpu.dma_semaphore, #tpu.memory_space<semaphore_mem>>) src(%arg7 : memref<128xf32, #tpu.memory_space<vmem>>) dst(%dma_wait3A_86 : memref<10240xf32, #tpu.memory_space<vmem_shared>>)
    %add3A_87 = arith.constant 768 : i32
    %add3A_88 = arith.addi %multiple_of3A_56, %add3A_87 : i32
    %dma_wait3A_89 = tpu.memref_slice %arg6[%add3A_88] : memref<6144xi32, #tpu.memory_space<vmem>> -> memref<128xi32, #tpu.memory_space<vmem>>
    %dma_wait3A_90 = arith.constant 0 : i32
    %dma_wait3A_91 = tpu.memref_slice %arg10[%dma_wait3A_90] : memref<10240xf32, #tpu.memory_space<vmem_shared>> -> memref<10240xf32, #tpu.memory_space<vmem_shared>>
    tpu.wait_indirect_dma semaphore(%arg9 : memref<!tpu.dma_semaphore, #tpu.memory_space<semaphore_mem>>) src(%arg7 : memref<128xf32, #tpu.memory_space<vmem>>) dst(%dma_wait3A_91 : memref<10240xf32, #tpu.memory_space<vmem_shared>>)
    %add3A_92 = arith.constant 896 : i32
    %add3A_93 = arith.addi %multiple_of3A_56, %add3A_92 : i32
    %dma_wait3A_94 = tpu.memref_slice %arg6[%add3A_93] : memref<6144xi32, #tpu.memory_space<vmem>> -> memref<128xi32, #tpu.memory_space<vmem>>
    %dma_wait3A_95 = arith.constant 0 : i32
    %dma_wait3A_96 = tpu.memref_slice %arg10[%dma_wait3A_95] : memref<10240xf32, #tpu.memory_space<vmem_shared>> -> memref<10240xf32, #tpu.memory_space<vmem_shared>>
    tpu.wait_indirect_dma semaphore(%arg9 : memref<!tpu.dma_semaphore, #tpu.memory_space<semaphore_mem>>) src(%arg7 : memref<128xf32, #tpu.memory_space<vmem>>) dst(%dma_wait3A_96 : memref<10240xf32, #tpu.memory_space<vmem_shared>>)
    %add3A_97 = arith.constant 1024 : i32
    %add3A_98 = arith.addi %multiple_of3A_56, %add3A_97 : i32
    %dma_wait3A_99 = tpu.memref_slice %arg6[%add3A_98] : memref<6144xi32, #tpu.memory_space<vmem>> -> memref<128xi32, #tpu.memory_space<vmem>>
    %dma_wait3A_100 = arith.constant 0 : i32
    %dma_wait3A_101 = tpu.memref_slice %arg10[%dma_wait3A_100] : memref<10240xf32, #tpu.memory_space<vmem_shared>> -> memref<10240xf32, #tpu.memory_space<vmem_shared>>
    tpu.wait_indirect_dma semaphore(%arg9 : memref<!tpu.dma_semaphore, #tpu.memory_space<semaphore_mem>>) src(%arg7 : memref<128xf32, #tpu.memory_space<vmem>>) dst(%dma_wait3A_101 : memref<10240xf32, #tpu.memory_space<vmem_shared>>)
    %add3A_102 = arith.constant 1152 : i32
    %add3A_103 = arith.addi %multiple_of3A_56, %add3A_102 : i32
    %dma_wait3A_104 = tpu.memref_slice %arg6[%add3A_103] : memref<6144xi32, #tpu.memory_space<vmem>> -> memref<128xi32, #tpu.memory_space<vmem>>
    %dma_wait3A_105 = arith.constant 0 : i32
    %dma_wait3A_106 = tpu.memref_slice %arg10[%dma_wait3A_105] : memref<10240xf32, #tpu.memory_space<vmem_shared>> -> memref<10240xf32, #tpu.memory_space<vmem_shared>>
    tpu.wait_indirect_dma semaphore(%arg9 : memref<!tpu.dma_semaphore, #tpu.memory_space<semaphore_mem>>) src(%arg7 : memref<128xf32, #tpu.memory_space<vmem>>) dst(%dma_wait3A_106 : memref<10240xf32, #tpu.memory_space<vmem_shared>>)
    %add3A_107 = arith.constant 1280 : i32
    %add3A_108 = arith.addi %multiple_of3A_56, %add3A_107 : i32
    %dma_wait3A_109 = tpu.memref_slice %arg6[%add3A_108] : memref<6144xi32, #tpu.memory_space<vmem>> -> memref<128xi32, #tpu.memory_space<vmem>>
    %dma_wait3A_110 = arith.constant 0 : i32
    %dma_wait3A_111 = tpu.memref_slice %arg10[%dma_wait3A_110] : memref<10240xf32, #tpu.memory_space<vmem_shared>> -> memref<10240xf32, #tpu.memory_space<vmem_shared>>
    tpu.wait_indirect_dma semaphore(%arg9 : memref<!tpu.dma_semaphore, #tpu.memory_space<semaphore_mem>>) src(%arg7 : memref<128xf32, #tpu.memory_space<vmem>>) dst(%dma_wait3A_111 : memref<10240xf32, #tpu.memory_space<vmem_shared>>)
    %add3A_112 = arith.constant 1408 : i32
    %add3A_113 = arith.addi %multiple_of3A_56, %add3A_112 : i32
    %dma_wait3A_114 = tpu.memref_slice %arg6[%add3A_113] : memref<6144xi32, #tpu.memory_space<vmem>> -> memref<128xi32, #tpu.memory_space<vmem>>
    %dma_wait3A_115 = arith.constant 0 : i32
    %dma_wait3A_116 = tpu.memref_slice %arg10[%dma_wait3A_115] : memref<10240xf32, #tpu.memory_space<vmem_shared>> -> memref<10240xf32, #tpu.memory_space<vmem_shared>>
    tpu.wait_indirect_dma semaphore(%arg9 : memref<!tpu.dma_semaphore, #tpu.memory_space<semaphore_mem>>) src(%arg7 : memref<128xf32, #tpu.memory_space<vmem>>) dst(%dma_wait3A_116 : memref<10240xf32, #tpu.memory_space<vmem_shared>>)
    %add3A_117 = arith.constant 1536 : i32
    %add3A_118 = arith.addi %multiple_of3A_56, %add3A_117 : i32
    %dma_wait3A_119 = tpu.memref_slice %arg6[%add3A_118] : memref<6144xi32, #tpu.memory_space<vmem>> -> memref<128xi32, #tpu.memory_space<vmem>>
    %dma_wait3A_120 = arith.constant 0 : i32
    %dma_wait3A_121 = tpu.memref_slice %arg10[%dma_wait3A_120] : memref<10240xf32, #tpu.memory_space<vmem_shared>> -> memref<10240xf32, #tpu.memory_space<vmem_shared>>
    tpu.wait_indirect_dma semaphore(%arg9 : memref<!tpu.dma_semaphore, #tpu.memory_space<semaphore_mem>>) src(%arg7 : memref<128xf32, #tpu.memory_space<vmem>>) dst(%dma_wait3A_121 : memref<10240xf32, #tpu.memory_space<vmem_shared>>)
    %add3A_122 = arith.constant 1664 : i32
    %add3A_123 = arith.addi %multiple_of3A_56, %add3A_122 : i32
    %dma_wait3A_124 = tpu.memref_slice %arg6[%add3A_123] : memref<6144xi32, #tpu.memory_space<vmem>> -> memref<128xi32, #tpu.memory_space<vmem>>
    %dma_wait3A_125 = arith.constant 0 : i32
    %dma_wait3A_126 = tpu.memref_slice %arg10[%dma_wait3A_125] : memref<10240xf32, #tpu.memory_space<vmem_shared>> -> memref<10240xf32, #tpu.memory_space<vmem_shared>>
    tpu.wait_indirect_dma semaphore(%arg9 : memref<!tpu.dma_semaphore, #tpu.memory_space<semaphore_mem>>) src(%arg7 : memref<128xf32, #tpu.memory_space<vmem>>) dst(%dma_wait3A_126 : memref<10240xf32, #tpu.memory_space<vmem_shared>>)
    %add3A_127 = arith.constant 1792 : i32
    %add3A_128 = arith.addi %multiple_of3A_56, %add3A_127 : i32
    %dma_wait3A_129 = tpu.memref_slice %arg6[%add3A_128] : memref<6144xi32, #tpu.memory_space<vmem>> -> memref<128xi32, #tpu.memory_space<vmem>>
    %dma_wait3A_130 = arith.constant 0 : i32
    %dma_wait3A_131 = tpu.memref_slice %arg10[%dma_wait3A_130] : memref<10240xf32, #tpu.memory_space<vmem_shared>> -> memref<10240xf32, #tpu.memory_space<vmem_shared>>
    tpu.wait_indirect_dma semaphore(%arg9 : memref<!tpu.dma_semaphore, #tpu.memory_space<semaphore_mem>>) src(%arg7 : memref<128xf32, #tpu.memory_space<vmem>>) dst(%dma_wait3A_131 : memref<10240xf32, #tpu.memory_space<vmem_shared>>)
    %add3A_132 = arith.constant 1920 : i32
    %add3A_133 = arith.addi %multiple_of3A_56, %add3A_132 : i32
    %dma_wait3A_134 = tpu.memref_slice %arg6[%add3A_133] : memref<6144xi32, #tpu.memory_space<vmem>> -> memref<128xi32, #tpu.memory_space<vmem>>
    %dma_wait3A_135 = arith.constant 0 : i32
    %dma_wait3A_136 = tpu.memref_slice %arg10[%dma_wait3A_135] : memref<10240xf32, #tpu.memory_space<vmem_shared>> -> memref<10240xf32, #tpu.memory_space<vmem_shared>>
    tpu.wait_indirect_dma semaphore(%arg9 : memref<!tpu.dma_semaphore, #tpu.memory_space<semaphore_mem>>) src(%arg7 : memref<128xf32, #tpu.memory_space<vmem>>) dst(%dma_wait3A_136 : memref<10240xf32, #tpu.memory_space<vmem_shared>>)
    %barrier3A_137 = arith.constant 0 : index
    tpu.barrier barrier_id(%barrier3A_137)
    %mul3A_138 = arith.constant 640 : i32
    %mul3A_139 = arith.muli %arg1, %mul3A_138 : i32
    %mul3A_140 = arith.constant 640 : i32
    %mul3A_141 = arith.muli %arg1, %mul3A_140 : i32
    "tpu.region"() ({
      %run_scoped3A = tpu.sem_alloc : memref<!tpu.dma_semaphore, #tpu.memory_space<semaphore_mem>>
      %dma_start3A_142 = tpu.memref_slice %arg5[%arg0, %mul3A_141] : memref<2x10240xf32, #tpu.memory_space<hbm>> -> memref<1x640xf32, #tpu.memory_space<hbm>>
      %dma_start3A_143 = tpu.memref_squeeze %dma_start3A_142 : memref<1x640xf32, #tpu.memory_space<hbm>> -> memref<640xf32, #tpu.memory_space<hbm>>
      %dma_start3A_144 = tpu.memref_slice %arg10[%mul3A_139] : memref<10240xf32, #tpu.memory_space<vmem_shared>> -> memref<640xf32, #tpu.memory_space<vmem_shared>>
      tpu.enqueue_dma source(%dma_start3A_144 : memref<640xf32, #tpu.memory_space<vmem_shared>>) target(%dma_start3A_143 : memref<640xf32, #tpu.memory_space<hbm>>) target_semaphore(%run_scoped3A : memref<!tpu.dma_semaphore, #tpu.memory_space<semaphore_mem>>)
      %dma_wait3A_145 = tpu.memref_slice %arg5[%arg0, %mul3A_141] : memref<2x10240xf32, #tpu.memory_space<hbm>> -> memref<1x640xf32, #tpu.memory_space<hbm>>
      %dma_wait3A_146 = tpu.memref_squeeze %dma_wait3A_145 : memref<1x640xf32, #tpu.memory_space<hbm>> -> memref<640xf32, #tpu.memory_space<hbm>>
      %dma_wait3A_147 = tpu.memref_slice %arg10[%mul3A_139] : memref<10240xf32, #tpu.memory_space<vmem_shared>> -> memref<640xf32, #tpu.memory_space<vmem_shared>>
      tpu.wait_dma2 semaphore(%run_scoped3A : memref<!tpu.dma_semaphore, #tpu.memory_space<semaphore_mem>>) src(%dma_wait3A_147 : memref<640xf32, #tpu.memory_space<vmem_shared>>) dst(%dma_wait3A_146 : memref<640xf32, #tpu.memory_space<hbm>>)
      tpu.yield
    }) : () -> ()
    return
  }
}

#map = affine_map<(d0, d1) -> (0, 0)>
#map1 = affine_map<(d0, d1) -> (0)>
#map2 = affine_map<(d0, d1) -> (0, 0, 0)>
module attributes {stable_mosaic.version = 14 : i64} {
  func.func @_row_scatter(%arg0: i32, %arg1: i32, %arg2: memref<10240x128xf32, #tpu.memory_space<hbm>>, %arg3: memref<327680xi32, #tpu.memory_space<hbm>>, %arg4: memref<327680xi32, #tpu.memory_space<hbm>>, %arg5: memref<640x128xf32, #tpu.memory_space<hbm>>, %arg6: memref<2x10240x128xf32, #tpu.memory_space<hbm>>, %arg7: memref<384xi32, #tpu.memory_space<vmem>>, %arg8: memref<384xi32, #tpu.memory_space<vmem>>, %arg9: memref<2x1x128x128xf32, #tpu.memory_space<vmem>>, %arg10: memref<!tpu.dma_semaphore, #tpu.memory_space<semaphore_mem>>, %arg11: memref<!tpu.dma_semaphore, #tpu.memory_space<semaphore_mem>>, %arg12: memref<!tpu.dma_semaphore, #tpu.memory_space<semaphore_mem>>, %arg13: memref<10240x128xf32, #tpu.memory_space<vmem_shared>>) attributes {dimension_semantics = [#tpu.dimension_semantics<core_parallel>, #tpu.dimension_semantics<subcore_parallel>], iteration_bounds = array<i64: 2, 16>, scalar_prefetch = 0 : i64, scratch_operands = 7 : i64, tpu.core_type = #tpu.core_type<sc_vector_subcore>, window_params = [{transform_indices = #map}, {transform_indices = #map1}, {transform_indices = #map1}, {transform_indices = #map}, {transform_indices = #map2}]} {
    %mul3A = arith.constant 16 : i32
    %mul3A_0 = arith.muli %arg0, %mul3A : i32
    %add3A = arith.addi %mul3A_0, %arg1 : i32
    %rem3A = arith.constant 0 : i32
    %rem3A_1 = arith.constant 3 : i32
    %rem3A_2 = arith.remsi %rem3A, %rem3A_1 : i32
    %mul3A_3 = arith.constant 128 : i32
    %mul3A_4 = arith.muli %rem3A_2, %mul3A_3 : i32
    %multiple_of3A = tpu.assume_multiple %mul3A_4, 128 : i32
    %mul3A_5 = arith.constant 10240 : i32
    %mul3A_6 = arith.muli %add3A, %mul3A_5 : i32
    %add3A_7 = arith.constant 0 : i32
    %add3A_8 = arith.addi %mul3A_6, %add3A_7 : i32
    %multiple_of3A_9 = tpu.assume_multiple %add3A_8, 128 : i32
    %dma_start3A = tpu.memref_slice %arg7[%multiple_of3A] : memref<384xi32, #tpu.memory_space<vmem>> -> memref<128xi32, #tpu.memory_space<vmem>>
    %dma_start3A_10 = tpu.memref_slice %arg3[%multiple_of3A_9] : memref<327680xi32, #tpu.memory_space<hbm>> -> memref<128xi32, #tpu.memory_space<hbm>>
    %dma_start3A_11 = tpu.memref_slice %arg7[%multiple_of3A] : memref<384xi32, #tpu.memory_space<vmem>> -> memref<128xi32, #tpu.memory_space<vmem>>
    %dma_start3A_12 = tpu.memref_slice %arg3[%multiple_of3A_9] : memref<327680xi32, #tpu.memory_space<hbm>> -> memref<128xi32, #tpu.memory_space<hbm>>
    tpu.enqueue_dma source(%dma_start3A_12 : memref<128xi32, #tpu.memory_space<hbm>>) target(%dma_start3A_11 : memref<128xi32, #tpu.memory_space<vmem>>) target_semaphore(%arg10 : memref<!tpu.dma_semaphore, #tpu.memory_space<semaphore_mem>>)
    %dma_start3A_13 = tpu.memref_slice %arg8[%multiple_of3A] : memref<384xi32, #tpu.memory_space<vmem>> -> memref<128xi32, #tpu.memory_space<vmem>>
    %dma_start3A_14 = tpu.memref_slice %arg4[%multiple_of3A_9] : memref<327680xi32, #tpu.memory_space<hbm>> -> memref<128xi32, #tpu.memory_space<hbm>>
    %dma_start3A_15 = tpu.memref_slice %arg8[%multiple_of3A] : memref<384xi32, #tpu.memory_space<vmem>> -> memref<128xi32, #tpu.memory_space<vmem>>
    %dma_start3A_16 = tpu.memref_slice %arg4[%multiple_of3A_9] : memref<327680xi32, #tpu.memory_space<hbm>> -> memref<128xi32, #tpu.memory_space<hbm>>
    tpu.enqueue_dma source(%dma_start3A_16 : memref<128xi32, #tpu.memory_space<hbm>>) target(%dma_start3A_15 : memref<128xi32, #tpu.memory_space<vmem>>) target_semaphore(%arg10 : memref<!tpu.dma_semaphore, #tpu.memory_space<semaphore_mem>>)
    %rem3A_17 = arith.constant 1 : i32
    %rem3A_18 = arith.constant 3 : i32
    %rem3A_19 = arith.remsi %rem3A_17, %rem3A_18 : i32
    %mul3A_20 = arith.constant 128 : i32
    %mul3A_21 = arith.muli %rem3A_19, %mul3A_20 : i32
    %multiple_of3A_22 = tpu.assume_multiple %mul3A_21, 128 : i32
    %mul3A_23 = arith.constant 10240 : i32
    %mul3A_24 = arith.muli %add3A, %mul3A_23 : i32
    %add3A_25 = arith.constant 128 : i32
    %add3A_26 = arith.addi %mul3A_24, %add3A_25 : i32
    %multiple_of3A_27 = tpu.assume_multiple %add3A_26, 128 : i32
    %dma_start3A_28 = tpu.memref_slice %arg7[%multiple_of3A_22] : memref<384xi32, #tpu.memory_space<vmem>> -> memref<128xi32, #tpu.memory_space<vmem>>
    %dma_start3A_29 = tpu.memref_slice %arg3[%multiple_of3A_27] : memref<327680xi32, #tpu.memory_space<hbm>> -> memref<128xi32, #tpu.memory_space<hbm>>
    %dma_start3A_30 = tpu.memref_slice %arg7[%multiple_of3A_22] : memref<384xi32, #tpu.memory_space<vmem>> -> memref<128xi32, #tpu.memory_space<vmem>>
    %dma_start3A_31 = tpu.memref_slice %arg3[%multiple_of3A_27] : memref<327680xi32, #tpu.memory_space<hbm>> -> memref<128xi32, #tpu.memory_space<hbm>>
    tpu.enqueue_dma source(%dma_start3A_31 : memref<128xi32, #tpu.memory_space<hbm>>) target(%dma_start3A_30 : memref<128xi32, #tpu.memory_space<vmem>>) target_semaphore(%arg10 : memref<!tpu.dma_semaphore, #tpu.memory_space<semaphore_mem>>)
    %dma_start3A_32 = tpu.memref_slice %arg8[%multiple_of3A_22] : memref<384xi32, #tpu.memory_space<vmem>> -> memref<128xi32, #tpu.memory_space<vmem>>
    %dma_start3A_33 = tpu.memref_slice %arg4[%multiple_of3A_27] : memref<327680xi32, #tpu.memory_space<hbm>> -> memref<128xi32, #tpu.memory_space<hbm>>
    %dma_start3A_34 = tpu.memref_slice %arg8[%multiple_of3A_22] : memref<384xi32, #tpu.memory_space<vmem>> -> memref<128xi32, #tpu.memory_space<vmem>>
    %dma_start3A_35 = tpu.memref_slice %arg4[%multiple_of3A_27] : memref<327680xi32, #tpu.memory_space<hbm>> -> memref<128xi32, #tpu.memory_space<hbm>>
    tpu.enqueue_dma source(%dma_start3A_35 : memref<128xi32, #tpu.memory_space<hbm>>) target(%dma_start3A_34 : memref<128xi32, #tpu.memory_space<vmem>>) target_semaphore(%arg10 : memref<!tpu.dma_semaphore, #tpu.memory_space<semaphore_mem>>)
    %eq3A = arith.constant 0 : i32
    %eq3A_36 = arith.cmpi eq, %arg0, %eq3A : i32
    %convert_element_type3A = arith.extui %eq3A_36 : i1 to i32
    %cond3A = arith.constant 0 : i32
    %cond3A_37 = arith.cmpi ne, %convert_element_type3A, %cond3A : i32
    scf.if %cond3A_37 {
      %mul3A_111 = arith.constant 640 : i32
      %mul3A_112 = arith.muli %arg1, %mul3A_111 : i32
      %mul3A_113 = arith.constant 640 : i32
      %mul3A_114 = arith.muli %arg1, %mul3A_113 : i32
      "tpu.region"() ({
        %run_scoped3A = tpu.sem_alloc : memref<!tpu.dma_semaphore, #tpu.memory_space<semaphore_mem>>
        %dma_start3A_115 = arith.constant 0 : i32
        %dma_start3A_116 = tpu.memref_slice %arg13[%mul3A_114, %dma_start3A_115] : memref<10240x128xf32, #tpu.memory_space<vmem_shared>> -> memref<640x128xf32, #tpu.memory_space<vmem_shared>>
        %dma_start3A_117 = arith.constant 0 : i32
        %dma_start3A_118 = tpu.memref_slice %arg2[%mul3A_112, %dma_start3A_117] : memref<10240x128xf32, #tpu.memory_space<hbm>> -> memref<640x128xf32, #tpu.memory_space<hbm>>
        tpu.enqueue_dma source(%dma_start3A_118 : memref<640x128xf32, #tpu.memory_space<hbm>>) target(%dma_start3A_116 : memref<640x128xf32, #tpu.memory_space<vmem_shared>>) target_semaphore(%run_scoped3A : memref<!tpu.dma_semaphore, #tpu.memory_space<semaphore_mem>>)
        %dma_wait3A_119 = arith.constant 0 : i32
        %dma_wait3A_120 = tpu.memref_slice %arg13[%mul3A_114, %dma_wait3A_119] : memref<10240x128xf32, #tpu.memory_space<vmem_shared>> -> memref<640x128xf32, #tpu.memory_space<vmem_shared>>
        %dma_wait3A_121 = arith.constant 0 : i32
        %dma_wait3A_122 = tpu.memref_slice %arg2[%mul3A_112, %dma_wait3A_121] : memref<10240x128xf32, #tpu.memory_space<hbm>> -> memref<640x128xf32, #tpu.memory_space<hbm>>
        tpu.wait_dma2 semaphore(%run_scoped3A : memref<!tpu.dma_semaphore, #tpu.memory_space<semaphore_mem>>) src(%dma_wait3A_122 : memref<640x128xf32, #tpu.memory_space<hbm>>) dst(%dma_wait3A_120 : memref<640x128xf32, #tpu.memory_space<vmem_shared>>)
        tpu.yield
      }) : () -> ()
    } else {
    }
    %eq3A_38 = arith.constant 1 : i32
    %eq3A_39 = arith.cmpi eq, %arg0, %eq3A_38 : i32
    %convert_element_type3A_40 = arith.extui %eq3A_39 : i1 to i32
    %cond3A_41 = arith.constant 0 : i32
    %cond3A_42 = arith.cmpi ne, %convert_element_type3A_40, %cond3A_41 : i32
    scf.if %cond3A_42 {
      %mul3A_111 = arith.constant 640 : i32
      %mul3A_112 = arith.muli %arg1, %mul3A_111 : i32
      "tpu.region"() ({
        %run_scoped3A = tpu.sem_alloc : memref<!tpu.dma_semaphore, #tpu.memory_space<semaphore_mem>>
        %dma_start3A_113 = arith.constant 0 : i32
        %dma_start3A_114 = tpu.memref_slice %arg13[%mul3A_112, %dma_start3A_113] : memref<10240x128xf32, #tpu.memory_space<vmem_shared>> -> memref<640x128xf32, #tpu.memory_space<vmem_shared>>
        tpu.enqueue_dma source(%arg5 : memref<640x128xf32, #tpu.memory_space<hbm>>) target(%dma_start3A_114 : memref<640x128xf32, #tpu.memory_space<vmem_shared>>) target_semaphore(%run_scoped3A : memref<!tpu.dma_semaphore, #tpu.memory_space<semaphore_mem>>)
        %dma_wait3A_115 = arith.constant 0 : i32
        %dma_wait3A_116 = tpu.memref_slice %arg13[%mul3A_112, %dma_wait3A_115] : memref<10240x128xf32, #tpu.memory_space<vmem_shared>> -> memref<640x128xf32, #tpu.memory_space<vmem_shared>>
        tpu.wait_dma2 semaphore(%run_scoped3A : memref<!tpu.dma_semaphore, #tpu.memory_space<semaphore_mem>>) src(%arg5 : memref<640x128xf32, #tpu.memory_space<hbm>>) dst(%dma_wait3A_116 : memref<640x128xf32, #tpu.memory_space<vmem_shared>>)
        tpu.yield
      }) : () -> ()
    } else {
    }
    %rem3A_43 = arith.constant 0 : i32
    %rem3A_44 = arith.constant 3 : i32
    %rem3A_45 = arith.remsi %rem3A_43, %rem3A_44 : i32
    %mul3A_46 = arith.constant 128 : i32
    %mul3A_47 = arith.muli %rem3A_45, %mul3A_46 : i32
    %multiple_of3A_48 = tpu.assume_multiple %mul3A_47, 128 : i32
    %mul3A_49 = arith.constant 10240 : i32
    %mul3A_50 = arith.muli %add3A, %mul3A_49 : i32
    %add3A_51 = arith.constant 0 : i32
    %add3A_52 = arith.addi %mul3A_50, %add3A_51 : i32
    %multiple_of3A_53 = tpu.assume_multiple %add3A_52, 128 : i32
    %dma_wait3A = tpu.memref_slice %arg7[%multiple_of3A_48] : memref<384xi32, #tpu.memory_space<vmem>> -> memref<128xi32, #tpu.memory_space<vmem>>
    %dma_wait3A_54 = tpu.memref_slice %arg3[%multiple_of3A_53] : memref<327680xi32, #tpu.memory_space<hbm>> -> memref<128xi32, #tpu.memory_space<hbm>>
    %dma_wait3A_55 = tpu.memref_slice %arg7[%multiple_of3A_48] : memref<384xi32, #tpu.memory_space<vmem>> -> memref<128xi32, #tpu.memory_space<vmem>>
    %dma_wait3A_56 = tpu.memref_slice %arg3[%multiple_of3A_53] : memref<327680xi32, #tpu.memory_space<hbm>> -> memref<128xi32, #tpu.memory_space<hbm>>
    tpu.wait_dma2 semaphore(%arg10 : memref<!tpu.dma_semaphore, #tpu.memory_space<semaphore_mem>>) src(%dma_wait3A_56 : memref<128xi32, #tpu.memory_space<hbm>>) dst(%dma_wait3A_55 : memref<128xi32, #tpu.memory_space<vmem>>)
    %dma_wait3A_57 = tpu.memref_slice %arg8[%multiple_of3A_48] : memref<384xi32, #tpu.memory_space<vmem>> -> memref<128xi32, #tpu.memory_space<vmem>>
    %dma_wait3A_58 = tpu.memref_slice %arg4[%multiple_of3A_53] : memref<327680xi32, #tpu.memory_space<hbm>> -> memref<128xi32, #tpu.memory_space<hbm>>
    %dma_wait3A_59 = tpu.memref_slice %arg8[%multiple_of3A_48] : memref<384xi32, #tpu.memory_space<vmem>> -> memref<128xi32, #tpu.memory_space<vmem>>
    %dma_wait3A_60 = tpu.memref_slice %arg4[%multiple_of3A_53] : memref<327680xi32, #tpu.memory_space<hbm>> -> memref<128xi32, #tpu.memory_space<hbm>>
    tpu.wait_dma2 semaphore(%arg10 : memref<!tpu.dma_semaphore, #tpu.memory_space<semaphore_mem>>) src(%dma_wait3A_60 : memref<128xi32, #tpu.memory_space<hbm>>) dst(%dma_wait3A_59 : memref<128xi32, #tpu.memory_space<vmem>>)
    %rem3A_61 = arith.constant 0 : i32
    %rem3A_62 = arith.constant 3 : i32
    %rem3A_63 = arith.remsi %rem3A_61, %rem3A_62 : i32
    %mul3A_64 = arith.constant 128 : i32
    %mul3A_65 = arith.muli %rem3A_63, %mul3A_64 : i32
    %multiple_of3A_66 = tpu.assume_multiple %mul3A_65, 128 : i32
    %rem3A_67 = arith.constant 0 : i32
    %rem3A_68 = arith.constant 2 : i32
    %rem3A_69 = arith.remsi %rem3A_67, %rem3A_68 : i32
    %add3A_70 = arith.constant 0 : i32
    %add3A_71 = arith.addi %multiple_of3A_66, %add3A_70 : i32
    %dma_start3A_72 = arith.constant 0 : i32
    %dma_start3A_73 = arith.constant 0 : i32
    %dma_start3A_74 = arith.constant 0 : i32
    %dma_start3A_75 = tpu.memref_slice %arg9[%rem3A_69, %dma_start3A_72, %dma_start3A_73, %dma_start3A_74] : memref<2x1x128x128xf32, #tpu.memory_space<vmem>> -> memref<1x1x128x128xf32, #tpu.memory_space<vmem>>
    %dma_start3A_76 = tpu.memref_squeeze %dma_start3A_75 : memref<1x1x128x128xf32, #tpu.memory_space<vmem>> -> memref<128x128xf32, #tpu.memory_space<vmem>>
    %dma_start3A_77 = tpu.memref_slice %arg7[%add3A_71] : memref<384xi32, #tpu.memory_space<vmem>> -> memref<128xi32, #tpu.memory_space<vmem>>
    %dma_start3A_78 = arith.constant 0 : i32
    %dma_start3A_79 = arith.constant 0 : i32
    %dma_start3A_80 = tpu.memref_slice %arg2[%dma_start3A_78, %dma_start3A_79] : memref<10240x128xf32, #tpu.memory_space<hbm>> -> memref<10240x128xf32, #tpu.memory_space<hbm>>
    tpu.enqueue_indirect_dma source(%dma_start3A_80 : memref<10240x128xf32, #tpu.memory_space<hbm>>) target(%dma_start3A_76 : memref<128x128xf32, #tpu.memory_space<vmem>>) offsets(%dma_start3A_77 : memref<128xi32, #tpu.memory_space<vmem>>) semaphore(%arg11 : memref<!tpu.dma_semaphore, #tpu.memory_space<semaphore_mem>>)
    %barrier3A = arith.constant 0 : index
    tpu.barrier barrier_id(%barrier3A)
    %scan3A = arith.constant 0 : i32
    %scan3A_81 = arith.constant 0 : i32
    %scan3A_82 = arith.constant 80 : i32
    %scan3A_83 = arith.addi %scan3A_81, %scan3A_82 : i32
    %scan3A_84 = arith.constant 1 : i32
    scf.for %scan3A_111 = %scan3A_81 to %scan3A_83 step %scan3A_84  : i32 {
      %gt3A = arith.constant 0 : i32
      %gt3A_112 = arith.cmpi sgt, %scan3A_111, %gt3A : i32
      %convert_element_type3A_113 = arith.extui %gt3A_112 : i1 to i32
      %cond3A_114 = arith.constant 0 : i32
      %cond3A_115 = arith.cmpi ne, %convert_element_type3A_113, %cond3A_114 : i32
      scf.if %cond3A_115 {
        %sub3A = arith.constant 1 : i32
        %sub3A_165 = arith.subi %scan3A_111, %sub3A : i32
        %rem3A_166 = arith.constant 3 : i32
        %rem3A_167 = arith.remsi %sub3A_165, %rem3A_166 : i32
        %mul3A_168 = arith.constant 128 : i32
        %mul3A_169 = arith.muli %rem3A_167, %mul3A_168 : i32
        %multiple_of3A_170 = tpu.assume_multiple %mul3A_169, 128 : i32
        %rem3A_171 = arith.constant 2 : i32
        %rem3A_172 = arith.remsi %sub3A_165, %rem3A_171 : i32
        %add3A_173 = arith.constant 0 : i32
        %add3A_174 = arith.addi %multiple_of3A_170, %add3A_173 : i32
        %dma_wait3A_175 = arith.constant 0 : i32
        %dma_wait3A_176 = arith.constant 0 : i32
        %dma_wait3A_177 = arith.constant 0 : i32
        %dma_wait3A_178 = tpu.memref_slice %arg9[%rem3A_172, %dma_wait3A_175, %dma_wait3A_176, %dma_wait3A_177] : memref<2x1x128x128xf32, #tpu.memory_space<vmem>> -> memref<1x1x128x128xf32, #tpu.memory_space<vmem>>
        %dma_wait3A_179 = tpu.memref_squeeze %dma_wait3A_178 : memref<1x1x128x128xf32, #tpu.memory_space<vmem>> -> memref<128x128xf32, #tpu.memory_space<vmem>>
        %dma_wait3A_180 = tpu.memref_slice %arg8[%add3A_174] : memref<384xi32, #tpu.memory_space<vmem>> -> memref<128xi32, #tpu.memory_space<vmem>>
        %dma_wait3A_181 = arith.constant 0 : i32
        %dma_wait3A_182 = arith.constant 0 : i32
        %dma_wait3A_183 = tpu.memref_slice %arg13[%dma_wait3A_181, %dma_wait3A_182] : memref<10240x128xf32, #tpu.memory_space<vmem_shared>> -> memref<10240x128xf32, #tpu.memory_space<vmem_shared>>
        tpu.wait_indirect_dma semaphore(%arg12 : memref<!tpu.dma_semaphore, #tpu.memory_space<semaphore_mem>>) src(%dma_wait3A_179 : memref<128x128xf32, #tpu.memory_space<vmem>>) dst(%dma_wait3A_183 : memref<10240x128xf32, #tpu.memory_space<vmem_shared>>)
      } else {
      }
      %add3A_116 = arith.constant 1 : i32
      %add3A_117 = arith.addi %scan3A_111, %add3A_116 : i32
      %lt3A = arith.constant 80 : i32
      %lt3A_118 = arith.cmpi slt, %add3A_117, %lt3A : i32
      %convert_element_type3A_119 = arith.extui %lt3A_118 : i1 to i32
      %cond3A_120 = arith.constant 0 : i32
      %cond3A_121 = arith.cmpi ne, %convert_element_type3A_119, %cond3A_120 : i32
      scf.if %cond3A_121 {
        %add3A_165 = arith.constant 1 : i32
        %add3A_166 = arith.addi %scan3A_111, %add3A_165 : i32
        %rem3A_167 = arith.constant 3 : i32
        %rem3A_168 = arith.remsi %add3A_166, %rem3A_167 : i32
        %mul3A_169 = arith.constant 128 : i32
        %mul3A_170 = arith.muli %rem3A_168, %mul3A_169 : i32
        %multiple_of3A_171 = tpu.assume_multiple %mul3A_170, 128 : i32
        %mul3A_172 = arith.constant 10240 : i32
        %mul3A_173 = arith.muli %add3A, %mul3A_172 : i32
        %mul3A_174 = arith.constant 128 : i32
        %mul3A_175 = arith.muli %add3A_166, %mul3A_174 : i32
        %add3A_176 = arith.addi %mul3A_173, %mul3A_175 : i32
        %multiple_of3A_177 = tpu.assume_multiple %add3A_176, 128 : i32
        %dma_wait3A_178 = tpu.memref_slice %arg7[%multiple_of3A_171] : memref<384xi32, #tpu.memory_space<vmem>> -> memref<128xi32, #tpu.memory_space<vmem>>
        %dma_wait3A_179 = tpu.memref_slice %arg3[%multiple_of3A_177] : memref<327680xi32, #tpu.memory_space<hbm>> -> memref<128xi32, #tpu.memory_space<hbm>>
        %dma_wait3A_180 = tpu.memref_slice %arg7[%multiple_of3A_171] : memref<384xi32, #tpu.memory_space<vmem>> -> memref<128xi32, #tpu.memory_space<vmem>>
        %dma_wait3A_181 = tpu.memref_slice %arg3[%multiple_of3A_177] : memref<327680xi32, #tpu.memory_space<hbm>> -> memref<128xi32, #tpu.memory_space<hbm>>
        tpu.wait_dma2 semaphore(%arg10 : memref<!tpu.dma_semaphore, #tpu.memory_space<semaphore_mem>>) src(%dma_wait3A_181 : memref<128xi32, #tpu.memory_space<hbm>>) dst(%dma_wait3A_180 : memref<128xi32, #tpu.memory_space<vmem>>)
        %dma_wait3A_182 = tpu.memref_slice %arg8[%multiple_of3A_171] : memref<384xi32, #tpu.memory_space<vmem>> -> memref<128xi32, #tpu.memory_space<vmem>>
        %dma_wait3A_183 = tpu.memref_slice %arg4[%multiple_of3A_177] : memref<327680xi32, #tpu.memory_space<hbm>> -> memref<128xi32, #tpu.memory_space<hbm>>
        %dma_wait3A_184 = tpu.memref_slice %arg8[%multiple_of3A_171] : memref<384xi32, #tpu.memory_space<vmem>> -> memref<128xi32, #tpu.memory_space<vmem>>
        %dma_wait3A_185 = tpu.memref_slice %arg4[%multiple_of3A_177] : memref<327680xi32, #tpu.memory_space<hbm>> -> memref<128xi32, #tpu.memory_space<hbm>>
        tpu.wait_dma2 semaphore(%arg10 : memref<!tpu.dma_semaphore, #tpu.memory_space<semaphore_mem>>) src(%dma_wait3A_185 : memref<128xi32, #tpu.memory_space<hbm>>) dst(%dma_wait3A_184 : memref<128xi32, #tpu.memory_space<vmem>>)
        %add3A_186 = arith.constant 1 : i32
        %add3A_187 = arith.addi %scan3A_111, %add3A_186 : i32
        %rem3A_188 = arith.constant 3 : i32
        %rem3A_189 = arith.remsi %add3A_187, %rem3A_188 : i32
        %mul3A_190 = arith.constant 128 : i32
        %mul3A_191 = arith.muli %rem3A_189, %mul3A_190 : i32
        %multiple_of3A_192 = tpu.assume_multiple %mul3A_191, 128 : i32
        %rem3A_193 = arith.constant 2 : i32
        %rem3A_194 = arith.remsi %add3A_187, %rem3A_193 : i32
        %add3A_195 = arith.constant 0 : i32
        %add3A_196 = arith.addi %multiple_of3A_192, %add3A_195 : i32
        %dma_start3A_197 = arith.constant 0 : i32
        %dma_start3A_198 = arith.constant 0 : i32
        %dma_start3A_199 = arith.constant 0 : i32
        %dma_start3A_200 = tpu.memref_slice %arg9[%rem3A_194, %dma_start3A_197, %dma_start3A_198, %dma_start3A_199] : memref<2x1x128x128xf32, #tpu.memory_space<vmem>> -> memref<1x1x128x128xf32, #tpu.memory_space<vmem>>
        %dma_start3A_201 = tpu.memref_squeeze %dma_start3A_200 : memref<1x1x128x128xf32, #tpu.memory_space<vmem>> -> memref<128x128xf32, #tpu.memory_space<vmem>>
        %dma_start3A_202 = tpu.memref_slice %arg7[%add3A_196] : memref<384xi32, #tpu.memory_space<vmem>> -> memref<128xi32, #tpu.memory_space<vmem>>
        %dma_start3A_203 = arith.constant 0 : i32
        %dma_start3A_204 = arith.constant 0 : i32
        %dma_start3A_205 = tpu.memref_slice %arg2[%dma_start3A_203, %dma_start3A_204] : memref<10240x128xf32, #tpu.memory_space<hbm>> -> memref<10240x128xf32, #tpu.memory_space<hbm>>
        tpu.enqueue_indirect_dma source(%dma_start3A_205 : memref<10240x128xf32, #tpu.memory_space<hbm>>) target(%dma_start3A_201 : memref<128x128xf32, #tpu.memory_space<vmem>>) offsets(%dma_start3A_202 : memref<128xi32, #tpu.memory_space<vmem>>) semaphore(%arg11 : memref<!tpu.dma_semaphore, #tpu.memory_space<semaphore_mem>>)
      } else {
      }
      %rem3A_122 = arith.constant 3 : i32
      %rem3A_123 = arith.remsi %scan3A_111, %rem3A_122 : i32
      %mul3A_124 = arith.constant 128 : i32
      %mul3A_125 = arith.muli %rem3A_123, %mul3A_124 : i32
      %multiple_of3A_126 = tpu.assume_multiple %mul3A_125, 128 : i32
      %rem3A_127 = arith.constant 2 : i32
      %rem3A_128 = arith.remsi %scan3A_111, %rem3A_127 : i32
      %add3A_129 = arith.constant 0 : i32
      %add3A_130 = arith.addi %multiple_of3A_126, %add3A_129 : i32
      %dma_wait3A_131 = arith.constant 0 : i32
      %dma_wait3A_132 = arith.constant 0 : i32
      %dma_wait3A_133 = arith.constant 0 : i32
      %dma_wait3A_134 = tpu.memref_slice %arg9[%rem3A_128, %dma_wait3A_131, %dma_wait3A_132, %dma_wait3A_133] : memref<2x1x128x128xf32, #tpu.memory_space<vmem>> -> memref<1x1x128x128xf32, #tpu.memory_space<vmem>>
      %dma_wait3A_135 = tpu.memref_squeeze %dma_wait3A_134 : memref<1x1x128x128xf32, #tpu.memory_space<vmem>> -> memref<128x128xf32, #tpu.memory_space<vmem>>
      %dma_wait3A_136 = tpu.memref_slice %arg7[%add3A_130] : memref<384xi32, #tpu.memory_space<vmem>> -> memref<128xi32, #tpu.memory_space<vmem>>
      %dma_wait3A_137 = arith.constant 0 : i32
      %dma_wait3A_138 = arith.constant 0 : i32
      %dma_wait3A_139 = tpu.memref_slice %arg2[%dma_wait3A_137, %dma_wait3A_138] : memref<10240x128xf32, #tpu.memory_space<hbm>> -> memref<10240x128xf32, #tpu.memory_space<hbm>>
      tpu.wait_indirect_dma semaphore(%arg11 : memref<!tpu.dma_semaphore, #tpu.memory_space<semaphore_mem>>) src(%dma_wait3A_139 : memref<10240x128xf32, #tpu.memory_space<hbm>>) dst(%dma_wait3A_135 : memref<128x128xf32, #tpu.memory_space<vmem>>)
      %add3A_140 = arith.constant 2 : i32
      %add3A_141 = arith.addi %scan3A_111, %add3A_140 : i32
      %lt3A_142 = arith.constant 80 : i32
      %lt3A_143 = arith.cmpi slt, %add3A_141, %lt3A_142 : i32
      %convert_element_type3A_144 = arith.extui %lt3A_143 : i1 to i32
      %cond3A_145 = arith.constant 0 : i32
      %cond3A_146 = arith.cmpi ne, %convert_element_type3A_144, %cond3A_145 : i32
      scf.if %cond3A_146 {
        %add3A_165 = arith.constant 2 : i32
        %add3A_166 = arith.addi %scan3A_111, %add3A_165 : i32
        %rem3A_167 = arith.constant 3 : i32
        %rem3A_168 = arith.remsi %add3A_166, %rem3A_167 : i32
        %mul3A_169 = arith.constant 128 : i32
        %mul3A_170 = arith.muli %rem3A_168, %mul3A_169 : i32
        %multiple_of3A_171 = tpu.assume_multiple %mul3A_170, 128 : i32
        %mul3A_172 = arith.constant 10240 : i32
        %mul3A_173 = arith.muli %add3A, %mul3A_172 : i32
        %mul3A_174 = arith.constant 128 : i32
        %mul3A_175 = arith.muli %add3A_166, %mul3A_174 : i32
        %add3A_176 = arith.addi %mul3A_173, %mul3A_175 : i32
        %multiple_of3A_177 = tpu.assume_multiple %add3A_176, 128 : i32
        %dma_start3A_178 = tpu.memref_slice %arg7[%multiple_of3A_171] : memref<384xi32, #tpu.memory_space<vmem>> -> memref<128xi32, #tpu.memory_space<vmem>>
        %dma_start3A_179 = tpu.memref_slice %arg3[%multiple_of3A_177] : memref<327680xi32, #tpu.memory_space<hbm>> -> memref<128xi32, #tpu.memory_space<hbm>>
        %dma_start3A_180 = tpu.memref_slice %arg7[%multiple_of3A_171] : memref<384xi32, #tpu.memory_space<vmem>> -> memref<128xi32, #tpu.memory_space<vmem>>
        %dma_start3A_181 = tpu.memref_slice %arg3[%multiple_of3A_177] : memref<327680xi32, #tpu.memory_space<hbm>> -> memref<128xi32, #tpu.memory_space<hbm>>
        tpu.enqueue_dma source(%dma_start3A_181 : memref<128xi32, #tpu.memory_space<hbm>>) target(%dma_start3A_180 : memref<128xi32, #tpu.memory_space<vmem>>) target_semaphore(%arg10 : memref<!tpu.dma_semaphore, #tpu.memory_space<semaphore_mem>>)
        %dma_start3A_182 = tpu.memref_slice %arg8[%multiple_of3A_171] : memref<384xi32, #tpu.memory_space<vmem>> -> memref<128xi32, #tpu.memory_space<vmem>>
        %dma_start3A_183 = tpu.memref_slice %arg4[%multiple_of3A_177] : memref<327680xi32, #tpu.memory_space<hbm>> -> memref<128xi32, #tpu.memory_space<hbm>>
        %dma_start3A_184 = tpu.memref_slice %arg8[%multiple_of3A_171] : memref<384xi32, #tpu.memory_space<vmem>> -> memref<128xi32, #tpu.memory_space<vmem>>
        %dma_start3A_185 = tpu.memref_slice %arg4[%multiple_of3A_177] : memref<327680xi32, #tpu.memory_space<hbm>> -> memref<128xi32, #tpu.memory_space<hbm>>
        tpu.enqueue_dma source(%dma_start3A_185 : memref<128xi32, #tpu.memory_space<hbm>>) target(%dma_start3A_184 : memref<128xi32, #tpu.memory_space<vmem>>) target_semaphore(%arg10 : memref<!tpu.dma_semaphore, #tpu.memory_space<semaphore_mem>>)
      } else {
      }
      %rem3A_147 = arith.constant 3 : i32
      %rem3A_148 = arith.remsi %scan3A_111, %rem3A_147 : i32
      %mul3A_149 = arith.constant 128 : i32
      %mul3A_150 = arith.muli %rem3A_148, %mul3A_149 : i32
      %multiple_of3A_151 = tpu.assume_multiple %mul3A_150, 128 : i32
      %rem3A_152 = arith.constant 2 : i32
      %rem3A_153 = arith.remsi %scan3A_111, %rem3A_152 : i32
      %add3A_154 = arith.constant 0 : i32
      %add3A_155 = arith.addi %multiple_of3A_151, %add3A_154 : i32
      %dma_start3A_156 = arith.constant 0 : i32
      %dma_start3A_157 = arith.constant 0 : i32
      %dma_start3A_158 = arith.constant 0 : i32
      %dma_start3A_159 = tpu.memref_slice %arg9[%rem3A_153, %dma_start3A_156, %dma_start3A_157, %dma_start3A_158] : memref<2x1x128x128xf32, #tpu.memory_space<vmem>> -> memref<1x1x128x128xf32, #tpu.memory_space<vmem>>
      %dma_start3A_160 = tpu.memref_squeeze %dma_start3A_159 : memref<1x1x128x128xf32, #tpu.memory_space<vmem>> -> memref<128x128xf32, #tpu.memory_space<vmem>>
      %dma_start3A_161 = tpu.memref_slice %arg8[%add3A_155] : memref<384xi32, #tpu.memory_space<vmem>> -> memref<128xi32, #tpu.memory_space<vmem>>
      %dma_start3A_162 = arith.constant 0 : i32
      %dma_start3A_163 = arith.constant 0 : i32
      %dma_start3A_164 = tpu.memref_slice %arg13[%dma_start3A_162, %dma_start3A_163] : memref<10240x128xf32, #tpu.memory_space<vmem_shared>> -> memref<10240x128xf32, #tpu.memory_space<vmem_shared>>
      tpu.enqueue_indirect_dma source(%dma_start3A_160 : memref<128x128xf32, #tpu.memory_space<vmem>>) target(%dma_start3A_164 : memref<10240x128xf32, #tpu.memory_space<vmem_shared>>) offsets(%dma_start3A_161 : memref<128xi32, #tpu.memory_space<vmem>>) semaphore(%arg12 : memref<!tpu.dma_semaphore, #tpu.memory_space<semaphore_mem>>) {add = true}
    }
    %scan3A_85 = arith.constant 80 : i32
    %rem3A_86 = arith.constant 79 : i32
    %rem3A_87 = arith.constant 3 : i32
    %rem3A_88 = arith.remsi %rem3A_86, %rem3A_87 : i32
    %mul3A_89 = arith.constant 128 : i32
    %mul3A_90 = arith.muli %rem3A_88, %mul3A_89 : i32
    %multiple_of3A_91 = tpu.assume_multiple %mul3A_90, 128 : i32
    %rem3A_92 = arith.constant 79 : i32
    %rem3A_93 = arith.constant 2 : i32
    %rem3A_94 = arith.remsi %rem3A_92, %rem3A_93 : i32
    %add3A_95 = arith.constant 0 : i32
    %add3A_96 = arith.addi %multiple_of3A_91, %add3A_95 : i32
    %dma_wait3A_97 = arith.constant 0 : i32
    %dma_wait3A_98 = arith.constant 0 : i32
    %dma_wait3A_99 = arith.constant 0 : i32
    %dma_wait3A_100 = tpu.memref_slice %arg9[%rem3A_94, %dma_wait3A_97, %dma_wait3A_98, %dma_wait3A_99] : memref<2x1x128x128xf32, #tpu.memory_space<vmem>> -> memref<1x1x128x128xf32, #tpu.memory_space<vmem>>
    %dma_wait3A_101 = tpu.memref_squeeze %dma_wait3A_100 : memref<1x1x128x128xf32, #tpu.memory_space<vmem>> -> memref<128x128xf32, #tpu.memory_space<vmem>>
    %dma_wait3A_102 = tpu.memref_slice %arg8[%add3A_96] : memref<384xi32, #tpu.memory_space<vmem>> -> memref<128xi32, #tpu.memory_space<vmem>>
    %dma_wait3A_103 = arith.constant 0 : i32
    %dma_wait3A_104 = arith.constant 0 : i32
    %dma_wait3A_105 = tpu.memref_slice %arg13[%dma_wait3A_103, %dma_wait3A_104] : memref<10240x128xf32, #tpu.memory_space<vmem_shared>> -> memref<10240x128xf32, #tpu.memory_space<vmem_shared>>
    tpu.wait_indirect_dma semaphore(%arg12 : memref<!tpu.dma_semaphore, #tpu.memory_space<semaphore_mem>>) src(%dma_wait3A_101 : memref<128x128xf32, #tpu.memory_space<vmem>>) dst(%dma_wait3A_105 : memref<10240x128xf32, #tpu.memory_space<vmem_shared>>)
    %barrier3A_106 = arith.constant 0 : index
    tpu.barrier barrier_id(%barrier3A_106)
    %mul3A_107 = arith.constant 640 : i32
    %mul3A_108 = arith.muli %arg1, %mul3A_107 : i32
    %mul3A_109 = arith.constant 640 : i32
    %mul3A_110 = arith.muli %arg1, %mul3A_109 : i32
    "tpu.region"() ({
      %run_scoped3A = tpu.sem_alloc : memref<!tpu.dma_semaphore, #tpu.memory_space<semaphore_mem>>
      %dma_start3A_111 = arith.constant 0 : i32
      %dma_start3A_112 = tpu.memref_slice %arg6[%arg0, %mul3A_110, %dma_start3A_111] : memref<2x10240x128xf32, #tpu.memory_space<hbm>> -> memref<1x640x128xf32, #tpu.memory_space<hbm>>
      %dma_start3A_113 = tpu.memref_squeeze %dma_start3A_112 : memref<1x640x128xf32, #tpu.memory_space<hbm>> -> memref<640x128xf32, #tpu.memory_space<hbm>>
      %dma_start3A_114 = arith.constant 0 : i32
      %dma_start3A_115 = tpu.memref_slice %arg13[%mul3A_108, %dma_start3A_114] : memref<10240x128xf32, #tpu.memory_space<vmem_shared>> -> memref<640x128xf32, #tpu.memory_space<vmem_shared>>
      tpu.enqueue_dma source(%dma_start3A_115 : memref<640x128xf32, #tpu.memory_space<vmem_shared>>) target(%dma_start3A_113 : memref<640x128xf32, #tpu.memory_space<hbm>>) target_semaphore(%run_scoped3A : memref<!tpu.dma_semaphore, #tpu.memory_space<semaphore_mem>>)
      %dma_wait3A_116 = arith.constant 0 : i32
      %dma_wait3A_117 = tpu.memref_slice %arg6[%arg0, %mul3A_110, %dma_wait3A_116] : memref<2x10240x128xf32, #tpu.memory_space<hbm>> -> memref<1x640x128xf32, #tpu.memory_space<hbm>>
      %dma_wait3A_118 = tpu.memref_squeeze %dma_wait3A_117 : memref<1x640x128xf32, #tpu.memory_space<hbm>> -> memref<640x128xf32, #tpu.memory_space<hbm>>
      %dma_wait3A_119 = arith.constant 0 : i32
      %dma_wait3A_120 = tpu.memref_slice %arg13[%mul3A_108, %dma_wait3A_119] : memref<10240x128xf32, #tpu.memory_space<vmem_shared>> -> memref<640x128xf32, #tpu.memory_space<vmem_shared>>
      tpu.wait_dma2 semaphore(%run_scoped3A : memref<!tpu.dma_semaphore, #tpu.memory_space<semaphore_mem>>) src(%dma_wait3A_120 : memref<640x128xf32, #tpu.memory_space<vmem_shared>>) dst(%dma_wait3A_118 : memref<640x128xf32, #tpu.memory_space<hbm>>)
      tpu.yield
    }) : () -> ()
    return
  }
}

module attributes {stable_mosaic.version = 14 : i64} {
  func.func @_stage1_body(%arg0: i32, %arg1: memref<2x2048xf32, #tpu.memory_space<vmem>>, %arg2: memref<2048x128xf32, #tpu.memory_space<vmem>>, %arg3: memref<128x128xf32, #tpu.memory_space<vmem>>, %arg4: memref<2048x1xf32, #tpu.memory_space<vmem>>, %arg5: memref<2048x128xf32, #tpu.memory_space<vmem>>) attributes {dimension_semantics = [#tpu.dimension_semantics<arbitrary>], iteration_bounds = array<i64: 5>, scalar_prefetch = 0 : i64, scratch_operands = 0 : i64, tpu.core_type = #tpu.core_type<tc>, window_params = [{transform_indices = @transform_0, window_bounds = array<i64: 2, 2048>}, {transform_indices = @transform_1, window_bounds = array<i64: 2048, 128>}, {pipeline_mode = #tpu.pipeline_mode<synchronous>, transform_indices = @transform_2, window_bounds = array<i64: 128, 128>}, {transform_indices = @transform_3, window_bounds = array<i64: 2048, 1>}, {transform_indices = @transform_4, window_bounds = array<i64: 2048, 128>}]} {
    %get3A = arith.constant 0 : index
    %get3A_0 = arith.constant 0 : index
    %get3A_1 = vector.load %arg1[%get3A, %get3A_0] : memref<2x2048xf32, #tpu.memory_space<vmem>>, vector<1x2048xf32>
    %get3A_2 = vector.shape_cast %get3A_1 : vector<1x2048xf32> to vector<2048xf32>
    %get3A_3 = arith.constant 1 : index
    %get3A_4 = arith.constant 0 : index
    %get3A_5 = vector.load %arg1[%get3A_3, %get3A_4] : memref<2x2048xf32, #tpu.memory_space<vmem>>, vector<1x2048xf32>
    %get3A_6 = vector.shape_cast %get3A_5 : vector<1x2048xf32> to vector<2048xf32>
    %add3A = arith.addf %get3A_2, %get3A_6 : vector<2048xf32>
    %add3A_7 = arith.constant 1.000000e+00 : f32
    %add3A_8 = vector.broadcast %add3A_7 : f32 to vector<2048xf32>
    %add3A_9 = arith.addf %add3A, %add3A_8 : vector<2048xf32>
    %rsqrt3A = math.rsqrt %add3A_9 : vector<2048xf32>
    %broadcast_in_dim3A = vector.shape_cast %rsqrt3A : vector<2048xf32> to vector<2048x1xf32>
    %swap3A = arith.constant 0 : index
    %swap3A_10 = arith.constant 0 : index
    %swap3A_11 = vector.load %arg4[%swap3A, %swap3A_10] : memref<2048x1xf32, #tpu.memory_space<vmem>>, vector<2048x1xf32>
    tpu.vector_store %arg4[%swap3A, %swap3A_10], %broadcast_in_dim3A {strides = array<i32>} : memref<2048x1xf32, #tpu.memory_space<vmem>>, vector<2048x1xf32>,
    %get3A_12 = arith.constant 0 : index
    %get3A_13 = arith.constant 0 : index
    %get3A_14 = vector.load %arg2[%get3A_12, %get3A_13] : memref<2048x128xf32, #tpu.memory_space<vmem>>, vector<2048x128xf32>
    %get3A_15 = arith.constant 0 : index
    %get3A_16 = arith.constant 0 : index
    %get3A_17 = vector.load %arg3[%get3A_15, %get3A_16] : memref<128x128xf32, #tpu.memory_space<vmem>>, vector<128x128xf32>
    %dot_general3A = arith.constant dense<0.000000e+00> : vector<2048x128xf32>
    %dot_general3A_18 = tpu.matmul %get3A_14, %get3A_17, %dot_general3A {dimension_numbers = #tpu.dot_dimension_numbers<[1], [0], [0], [1], [0, 0, 1, 1], [], []>, transpose_lhs_hint = false} : vector<2048x128xf32>, vector<128x128xf32>, vector<2048x128xf32> -> vector<2048x128xf32>
    %broadcast_in_dim3A_19 = vector.shape_cast %rsqrt3A : vector<2048xf32> to vector<2048x1xf32>
    %mul3A = vector.broadcast %broadcast_in_dim3A_19 : vector<2048x1xf32> to vector<2048x128xf32>
    %mul3A_20 = arith.mulf %dot_general3A_18, %mul3A : vector<2048x128xf32>
    %swap3A_21 = arith.constant 0 : index
    %swap3A_22 = arith.constant 0 : index
    %swap3A_23 = vector.load %arg5[%swap3A_21, %swap3A_22] : memref<2048x128xf32, #tpu.memory_space<vmem>>, vector<2048x128xf32>
    tpu.vector_store %arg5[%swap3A_21, %swap3A_22], %mul3A_20 {strides = array<i32>} : memref<2048x128xf32, #tpu.memory_space<vmem>>, vector<2048x128xf32>,
    return
  }
  func.func @transform_0(%arg0: i32) -> (i32, i32) {
    %c0_i32 = arith.constant 0 : i32
    %c0_i32_0 = arith.constant 0 : i32
    return %c0_i32, %arg0 : i32, i32
  }
  func.func @transform_1(%arg0: i32) -> (i32, i32) {
    %c0_i32 = arith.constant 0 : i32
    %c0_i32_0 = arith.constant 0 : i32
    return %arg0, %c0_i32 : i32, i32
  }
  func.func @transform_2(%arg0: i32) -> (i32, i32) {
    %c0_i32 = arith.constant 0 : i32
    %c0_i32_0 = arith.constant 0 : i32
    %c0_i32_1 = arith.constant 0 : i32
    return %c0_i32, %c0_i32_0 : i32, i32
  }
  func.func @transform_3(%arg0: i32) -> (i32, i32) {
    %c0_i32 = arith.constant 0 : i32
    %c0_i32_0 = arith.constant 0 : i32
    return %arg0, %c0_i32 : i32, i32
  }
  func.func @transform_4(%arg0: i32) -> (i32, i32) {
    %c0_i32 = arith.constant 0 : i32
    %c0_i32_0 = arith.constant 0 : i32
    return %arg0, %c0_i32 : i32, i32
  }
}

module attributes {stable_mosaic.version = 14 : i64} {
  func.func @_stage2_body(%arg0: i32, %arg1: memref<2x2048x128xf32, #tpu.memory_space<vmem>>, %arg2: memref<2048x1xf32, #tpu.memory_space<vmem>>, %arg3: memref<128xf32, #tpu.memory_space<vmem>>, %arg4: memref<2048x128xf32, #tpu.memory_space<vmem>>) attributes {dimension_semantics = [#tpu.dimension_semantics<arbitrary>], iteration_bounds = array<i64: 5>, scalar_prefetch = 0 : i64, scratch_operands = 0 : i64, tpu.core_type = #tpu.core_type<tc>, window_params = [{transform_indices = @transform_0, window_bounds = array<i64: 2, 2048, 128>}, {transform_indices = @transform_1, window_bounds = array<i64: 2048, 1>}, {pipeline_mode = #tpu.pipeline_mode<synchronous>, transform_indices = @transform_2, window_bounds = array<i64: 128>}, {transform_indices = @transform_3, window_bounds = array<i64: 2048, 128>}]} {
    %get3A = arith.constant 0 : index
    %get3A_0 = arith.constant 0 : index
    %get3A_1 = arith.constant 0 : index
    %get3A_2 = vector.load %arg1[%get3A, %get3A_0, %get3A_1] : memref<2x2048x128xf32, #tpu.memory_space<vmem>>, vector<1x2048x128xf32>
    %get3A_3 = vector.shape_cast %get3A_2 : vector<1x2048x128xf32> to vector<2048x128xf32>
    %get3A_4 = arith.constant 1 : index
    %get3A_5 = arith.constant 0 : index
    %get3A_6 = arith.constant 0 : index
    %get3A_7 = vector.load %arg1[%get3A_4, %get3A_5, %get3A_6] : memref<2x2048x128xf32, #tpu.memory_space<vmem>>, vector<1x2048x128xf32>
    %get3A_8 = vector.shape_cast %get3A_7 : vector<1x2048x128xf32> to vector<2048x128xf32>
    %add3A = arith.addf %get3A_3, %get3A_8 : vector<2048x128xf32>
    %get3A_9 = arith.constant 0 : index
    %get3A_10 = arith.constant 0 : index
    %get3A_11 = vector.load %arg2[%get3A_9, %get3A_10] : memref<2048x1xf32, #tpu.memory_space<vmem>>, vector<2048x1xf32>
    %mul3A = vector.broadcast %get3A_11 : vector<2048x1xf32> to vector<2048x128xf32>
    %mul3A_12 = arith.mulf %mul3A, %add3A : vector<2048x128xf32>
    %get3A_13 = arith.constant 0 : index
    %get3A_14 = vector.load %arg3[%get3A_13] : memref<128xf32, #tpu.memory_space<vmem>>, vector<128xf32>
    %broadcast_in_dim3A = vector.shape_cast %get3A_14 : vector<128xf32> to vector<1x128xf32>
    %add3A_15 = vector.broadcast %broadcast_in_dim3A : vector<1x128xf32> to vector<2048x128xf32>
    %add3A_16 = arith.addf %mul3A_12, %add3A_15 : vector<2048x128xf32>
    %max3A = arith.constant 0.000000e+00 : f32
    %max3A_17 = vector.broadcast %max3A : f32 to vector<2048x128xf32>
    %max3A_18 = arith.maximumf %add3A_16, %max3A_17 : vector<2048x128xf32>
    %mul3A_19 = vector.broadcast %get3A_11 : vector<2048x1xf32> to vector<2048x128xf32>
    %mul3A_20 = arith.mulf %max3A_18, %mul3A_19 : vector<2048x128xf32>
    %swap3A = arith.constant 0 : index
    %swap3A_21 = arith.constant 0 : index
    %swap3A_22 = vector.load %arg4[%swap3A, %swap3A_21] : memref<2048x128xf32, #tpu.memory_space<vmem>>, vector<2048x128xf32>
    tpu.vector_store %arg4[%swap3A, %swap3A_21], %mul3A_20 {strides = array<i32>} : memref<2048x128xf32, #tpu.memory_space<vmem>>, vector<2048x128xf32>,
    return
  }
  func.func @transform_0(%arg0: i32) -> (i32, i32, i32) {
    %c0_i32 = arith.constant 0 : i32
    %c0_i32_0 = arith.constant 0 : i32
    %c0_i32_1 = arith.constant 0 : i32
    return %c0_i32, %arg0, %c0_i32_0 : i32, i32, i32
  }
  func.func @transform_1(%arg0: i32) -> (i32, i32) {
    %c0_i32 = arith.constant 0 : i32
    %c0_i32_0 = arith.constant 0 : i32
    return %arg0, %c0_i32 : i32, i32
  }
  func.func @transform_2(%arg0: i32) -> i32 {
    %c0_i32 = arith.constant 0 : i32
    %c0_i32_0 = arith.constant 0 : i32
    return %c0_i32 : i32
  }
  func.func @transform_3(%arg0: i32) -> (i32, i32) {
    %c0_i32 = arith.constant 0 : i32
    %c0_i32_0 = arith.constant 0 : i32
    return %arg0, %c0_i32 : i32, i32
  }
}

module attributes {stable_mosaic.version = 14 : i64} {
  func.func @_stage3_body(%arg0: i32, %arg1: memref<2x2000x128xf32, #tpu.memory_space<vmem>>, %arg2: memref<2000x1xf32, #tpu.memory_space<vmem>>, %arg3: memref<16xf32, #tpu.memory_space<vmem>>, %arg4: memref<128x16xf32, #tpu.memory_space<vmem>>, %arg5: memref<2000x16xf32, #tpu.memory_space<vmem>>) attributes {dimension_semantics = [#tpu.dimension_semantics<arbitrary>], iteration_bounds = array<i64: 5>, scalar_prefetch = 0 : i64, scratch_operands = 0 : i64, tpu.core_type = #tpu.core_type<tc>, window_params = [{transform_indices = @transform_0, window_bounds = array<i64: 2, 2000, 128>}, {transform_indices = @transform_1, window_bounds = array<i64: 2000, 1>}, {pipeline_mode = #tpu.pipeline_mode<synchronous>, transform_indices = @transform_2, window_bounds = array<i64: 16>}, {pipeline_mode = #tpu.pipeline_mode<synchronous>, transform_indices = @transform_3, window_bounds = array<i64: 128, 16>}, {transform_indices = @transform_4, window_bounds = array<i64: 2000, 16>}]} {
    %get3A = arith.constant 0 : index
    %get3A_0 = arith.constant 0 : index
    %get3A_1 = arith.constant 0 : index
    %get3A_2 = vector.load %arg1[%get3A, %get3A_0, %get3A_1] : memref<2x2000x128xf32, #tpu.memory_space<vmem>>, vector<1x2000x128xf32>
    %get3A_3 = vector.shape_cast %get3A_2 : vector<1x2000x128xf32> to vector<2000x128xf32>
    %get3A_4 = arith.constant 1 : index
    %get3A_5 = arith.constant 0 : index
    %get3A_6 = arith.constant 0 : index
    %get3A_7 = vector.load %arg1[%get3A_4, %get3A_5, %get3A_6] : memref<2x2000x128xf32, #tpu.memory_space<vmem>>, vector<1x2000x128xf32>
    %get3A_8 = vector.shape_cast %get3A_7 : vector<1x2000x128xf32> to vector<2000x128xf32>
    %add3A = arith.addf %get3A_3, %get3A_8 : vector<2000x128xf32>
    %get3A_9 = arith.constant 0 : index
    %get3A_10 = arith.constant 0 : index
    %get3A_11 = vector.load %arg4[%get3A_9, %get3A_10] : memref<128x16xf32, #tpu.memory_space<vmem>>, vector<128x16xf32>
    %dot_general3A = arith.constant dense<0.000000e+00> : vector<2000x16xf32>
    %dot_general3A_12 = tpu.matmul %add3A, %get3A_11, %dot_general3A {dimension_numbers = #tpu.dot_dimension_numbers<[1], [0], [0], [1], [0, 0, 1, 1], [], []>, transpose_lhs_hint = false} : vector<2000x128xf32>, vector<128x16xf32>, vector<2000x16xf32> -> vector<2000x16xf32>
    %get3A_13 = arith.constant 0 : index
    %get3A_14 = arith.constant 0 : index
    %get3A_15 = vector.load %arg2[%get3A_13, %get3A_14] : memref<2000x1xf32, #tpu.memory_space<vmem>>, vector<2000x1xf32>
    %mul3A = vector.broadcast %get3A_15 : vector<2000x1xf32> to vector<2000x16xf32>
    %mul3A_16 = arith.mulf %mul3A, %dot_general3A_12 : vector<2000x16xf32>
    %get3A_17 = arith.constant 0 : index
    %get3A_18 = vector.load %arg3[%get3A_17] : memref<16xf32, #tpu.memory_space<vmem>>, vector<16xf32>
    %broadcast_in_dim3A = vector.shape_cast %get3A_18 : vector<16xf32> to vector<1x16xf32>
    %add3A_19 = vector.broadcast %broadcast_in_dim3A : vector<1x16xf32> to vector<2000x16xf32>
    %add3A_20 = arith.addf %mul3A_16, %add3A_19 : vector<2000x16xf32>
    %reduce_max3A = arith.constant dense<0xFF800000> : vector<2000xf32>
    %reduce_max3A_21 = vector.multi_reduction <maximumf>, %add3A_20, %reduce_max3A [1] : vector<2000x16xf32> to vector<2000xf32>
    %broadcast_in_dim3A_22 = vector.shape_cast %reduce_max3A_21 : vector<2000xf32> to vector<2000x1xf32>
    %sub3A = vector.broadcast %broadcast_in_dim3A_22 : vector<2000x1xf32> to vector<2000x16xf32>
    %sub3A_23 = arith.subf %add3A_20, %sub3A : vector<2000x16xf32>
    %exp3A = math.exp %sub3A_23 : vector<2000x16xf32>
    %reduce_sum3A = arith.constant dense<0.000000e+00> : vector<2000xf32>
    %reduce_sum3A_24 = vector.multi_reduction <add>, %exp3A, %reduce_sum3A [1] : vector<2000x16xf32> to vector<2000xf32>
    %broadcast_in_dim3A_25 = vector.shape_cast %reduce_sum3A_24 : vector<2000xf32> to vector<2000x1xf32>
    %log3A = math.log %broadcast_in_dim3A_25 : vector<2000x1xf32>
    %add3A_26 = arith.addf %broadcast_in_dim3A_22, %log3A : vector<2000x1xf32>
    %sub3A_27 = vector.broadcast %add3A_26 : vector<2000x1xf32> to vector<2000x16xf32>
    %sub3A_28 = arith.subf %add3A_20, %sub3A_27 : vector<2000x16xf32>
    %swap3A = arith.constant 0 : index
    %swap3A_29 = arith.constant 0 : index
    %swap3A_30 = vector.load %arg5[%swap3A, %swap3A_29] : memref<2000x16xf32, #tpu.memory_space<vmem>>, vector<2000x16xf32>
    tpu.vector_store %arg5[%swap3A, %swap3A_29], %sub3A_28 {strides = array<i32>} : memref<2000x16xf32, #tpu.memory_space<vmem>>, vector<2000x16xf32>,
    return
  }
  func.func @transform_0(%arg0: i32) -> (i32, i32, i32) {
    %c0_i32 = arith.constant 0 : i32
    %c0_i32_0 = arith.constant 0 : i32
    %c0_i32_1 = arith.constant 0 : i32
    return %c0_i32, %arg0, %c0_i32_0 : i32, i32, i32
  }
  func.func @transform_1(%arg0: i32) -> (i32, i32) {
    %c0_i32 = arith.constant 0 : i32
    %c0_i32_0 = arith.constant 0 : i32
    return %arg0, %c0_i32 : i32, i32
  }
  func.func @transform_2(%arg0: i32) -> i32 {
    %c0_i32 = arith.constant 0 : i32
    %c0_i32_0 = arith.constant 0 : i32
    return %c0_i32 : i32
  }
  func.func @transform_3(%arg0: i32) -> (i32, i32) {
    %c0_i32 = arith.constant 0 : i32
    %c0_i32_0 = arith.constant 0 : i32
    %c0_i32_1 = arith.constant 0 : i32
    return %c0_i32, %c0_i32_0 : i32, i32
  }
  func.func @transform_4(%arg0: i32) -> (i32, i32) {
    %c0_i32 = arith.constant 0 : i32
    %c0_i32_0 = arith.constant 0 : i32
    return %arg0, %c0_i32 : i32, i32
  }
}

</mosaic_0001>

<sc_bundles>
// kernel: kernel.11.cloned.1.call-start
scs
__scs_entry_jumppad:
0x0: {  	(pc) =	sbr.rel $0x88, $3  }
0x1: {  	(tag) =	ssettag $0x0;
	lr =	simm.s32 $0x1  }
0x2: {  	[smem:$0x3F9B] =	sst lr;
	_ =	strace $0xD0000000  }
0x3: {  	_ = 	snop  }
0x4: {  	_ = 	snop  }
0x5: {  	_ = 	snop  }
0x6: {  	_ = 	snop  }
0x7: {  	_ = 	snop  }
__scs_overlays_trampoline_lowered:
0x8: {  	[smem:$0x3FAA] =	sst s0  }
0x9: {  	[smem:$0x3FAB] =	sst s1  }
0xa: {  	[smem:$0x3FAC] =	sst s2  }
0xb: {  	[smem:$0x3FAD] =	sst s3  }
0xc: {  	[smem:$0x3FAE] =	sst s4  }
0xd: {  	[smem:$0x3FAF] =	sst s5  }
0xe: {  	[smem:$0x3FB0] =	sst s6  }
0xf: {  	[smem:$0x3FB1] =	sst s7  }
0x10: {  	[smem:$0x3FB2] =	sst s8  }
0x11: {  	[smem:$0x3FB3] =	sst s9;
	s0 =	simm.s32 @!p0 $0x0  }
0x12: {  	s1 =	sld [smem:$0x3F99];
	s0 =	simm.s32 @p0 $0x1  }
0x13: {  	[smem:$0x3FB4] =	sst s0;
	s0 =	simm.s32 @!p1 $0x0  }
0x14: {  	s2 =	sld [smem:$0x3F98];
	s0 =	simm.s32 @p1 $0x1  }
0x15: {  	[smem:$0x3FB5] =	sst s0;
	s0 =	simm.s32 @!p2 $0x0  }
0x16: {  	s3 =	sld [smem:$0x3FDB];
	s0 =	simm.s32 @p2 $0x1  }
0x17: {  	s4 =	simm.s32 $0x1BF5;
	[smem:$0x3FB7] =	sst s0  }
0x18: {  	s0 =	sld [smem:$0x3F9A];
	_ =	swait.ge [sflag:s4], $0x0  }
0x19: {  	s7 =	sld [smem:$0x3F9B]  }
0x1a: {  	s8 =	sadd.s32 $0xFFFFE003, lr  }
0x1b: {  	s9 =	sadd.s32 $0xFFFFFEF7, lr;
	s5 =	simm.s32 $0xFFFFFFFF;
	p2 =	slt.u32 s8, $0xFFFFF086  }
0x1c: {  	p1 =	slt.u32 s9, $0xF7A;
	s5 =	simm.s32 @!p2 $0x0  }
0x1d: {  	s5 =	simm.s32 @p1 $0x1;
	p0 =	seq.s32 s7, s2  }
0x1e: {  	s7 =	smul.u32 @!p0 $0xF7A, s2;
	p2 =	seq.s32 @!p0 s5, $0x0  }
0x1f: {  	s9 =	smul.u32 $0xF7A, s1;
	s8 =	simm.s32 @!p0 $0x1BF5;
	p2 =	por !p2, p0  }
0x20: {  	[sflag:s8] =	ssyncset.s32 @!p0 $0xFFFFF086;
	s6 =	sadd.s32 @!p0 s3, s7;
	s7 =	simm.s32 @!p0 $0x108  }
0x21: {  	s3 =	sadd.s32 s3, s9;
	s6 =	sadd.s32 @!p0 $0x88, s6;
	s7 =	simm.s32 @p2 $0x1082  }
0x22: {  	[simem:s7], [sflag:s8] =	dma.local @!p0 [hbm:s6], $0xF7A  }
0x23: {  	s9 =	sor.u32 $0xD0000000, s2;
	s6 =	simm.s32 $0x108;
	_ =	swait.ge @!p0 [sflag:s8], $0x0  }
0x24: {  	s3 =	sadd.s32 $0x88, s3;
	s6 =	simm.s32 @!p1 $0x1082;
	[sflag:s4] =	ssyncset.s32 $0xFFFFF086  }
0x25: {  	[simem:s6], [sflag:s4] =	dma.local [hbm:s3], $0xF7A  }
0x26: {  	[smem:$0x3F9B] =	sst s1;
	(tag) =	ssettag s2;
	_ =	strace s9  }
0x27: {  	s1 =	sld [smem:$0x3FAB]  }
0x28: {  	s2 =	sld [smem:$0x3FAC]  }
0x29: {  	s4 =	sld [smem:$0x3FAE]  }
0x2a: {  	p0 =	seq.s32 s5, $0x0;
	s5 =	sld [smem:$0x3FAF]  }
0x2b: {  	s6 =	sld [smem:$0x3FB0]  }
0x2c: {  	s7 =	sld [smem:$0x3FB1]  }
0x2d: {  	s3 =	simm.s32 $0x108;
	s8 =	sld [smem:$0x3FB2]  }
0x2e: {  	s3 =	simm.s32 @!p0 $0x1082;
	s9 =	sld [smem:$0x3FB3]  }
0x2f: {  	lr =	sadd.s32 s0, s3;
	s0 =	sld [smem:$0x3FAA]  }
0x30: {  	s3 =	sld [smem:$0x3FAD]  }
0x31: {  	[smem:$0x3FB6] =	sst s10  }
0x32: {  	s10 =	sld [smem:$0x3FB4];
	_ =	sdelay $0x3  }
0x33: {  	p0 =	seq.s32 s10, $0x1;
	s10 =	sld [smem:$0x3FB6];
	_ =	sdelay $0x3  }
0x34: {  	[smem:$0x3FB6] =	sst s10  }
0x35: {  	s10 =	sld [smem:$0x3FB5];
	_ =	sdelay $0x3  }
0x36: {  	p1 =	seq.s32 s10, $0x1;
	s10 =	sld [smem:$0x3FB6];
	_ =	sdelay $0x3  }
0x37: {  	[smem:$0x3FB6] =	sst s10  }
0x38: {  	s10 =	sld [smem:$0x3FB7]  }
0x39: {  	_ = 	snop;
	(pc) =	sbr.ind lr, $3  }
0x3a: {  	_ = 	snop  }
0x3b: {  	_ = 	snop  }
0x3c: {  	p2 =	seq.s32 s10, $0x1;
	s10 =	sld [smem:$0x3FB6]  }
0x3d: {  	_ =	shalt  }
0x3e: {  	_ =	shalt  }
0x3f: {  	_ =	shalt  }
0x40: {  	_ =	shalt  }
0x41: {  	_ =	shalt  }
0x42: {  	_ =	shalt  }
0x43: {  	_ =	shalt  }
0x44: {  	_ =	shalt  }
0x45: {  	_ =	shalt  }
0x46: {  	_ =	shalt  }
0x47: {  	_ =	shalt  }
0x48: {  	_ =	shalt  }
0x49: {  	_ =	shalt  }
0x4a: {  	_ =	shalt  }
0x4b: {  	_ =	shalt  }
0x4c: {  	_ =	shalt  }
0x4d: {  	_ =	shalt  }
0x4e: {  	_ =	shalt  }
0x4f: {  	_ =	shalt  }
0x50: {  	_ =	shalt  }
0x51: {  	_ =	shalt  }
0x52: {  	_ =	shalt  }
0x53: {  	_ =	shalt  }
0x54: {  	_ =	shalt  }
0x55: {  	_ =	shalt  }
0x56: {  	_ =	shalt  }
0x57: {  	_ =	shalt  }
0x58: {  	_ =	shalt  }
0x59: {  	_ =	shalt  }
0x5a: {  	_ =	shalt  }
0x5b: {  	_ =	shalt  }
0x5c: {  	_ =	shalt  }
0x5d: {  	_ =	shalt  }
0x5e: {  	_ =	shalt  }
0x5f: {  	_ =	shalt  }
0x60: {  	_ =	shalt  }
0x61: {  	_ =	shalt  }
0x62: {  	_ =	shalt  }
0x63: {  	_ =	shalt  }
0x64: {  	_ =	shalt  }
0x65: {  	_ =	shalt  }
0x66: {  	_ =	shalt  }
0x67: {  	_ =	shalt  }
0x68: {  	_ =	shalt  }
0x69: {  	_ =	shalt  }
0x6a: {  	_ =	shalt  }
0x6b: {  	_ =	shalt  }
0x6c: {  	_ =	shalt  }
0x6d: {  	_ =	shalt  }
0x6e: {  	_ =	shalt  }
0x6f: {  	_ =	shalt  }
0x70: {  	_ =	shalt  }
0x71: {  	_ =	shalt  }
0x72: {  	_ =	shalt  }
0x73: {  	_ =	shalt  }
0x74: {  	_ =	shalt  }
0x75: {  	_ =	shalt  }
0x76: {  	_ =	shalt  }
0x77: {  	_ =	shalt  }
0x78: {  	_ =	shalt  }
0x79: {  	_ =	shalt  }
0x7a: {  	_ =	shalt  }
0x7b: {  	_ =	shalt  }
0x7c: {  	_ =	shalt  }
0x7d: {  	_ =	shalt  }
0x7e: {  	_ =	shalt  }
0x7f: {  	_ =	shalt  }
0x80: {  	_ =	shalt  }
0x81: {  	_ =	shalt  }
0x82: {  	_ =	shalt  }
0x83: {  	_ =	shalt  }
0x84: {  	_ =	shalt  }
0x85: {  	_ =	shalt  }
0x86: {  	_ =	shalt  }
0x87: {  	_ =	shalt  }
.Lfunc_end0:
.L_simem_size_0:
called_computation.1_lowered:
.L_overlay_start_0:
0x88: {  	s2 =	sld [smem:$0x3FD9]  }
0x89: {  	s3 =	sld [smem:$0x3FFE];
	_ =	sdelay $0x1  }
0x8a: {  	s1 =	srdreg.scid  }
0x8b: {  	s0 =	sand.u32 $0x1, s1  }
0x8c: {  	s17 =	sshll.u32 s0, $0xA;
	s2 =	sadd.s32 s3, s2  }
0x8d: {  	s2 =	sadd.s32 s2, s17  }
0x8e: {  	[smem:$0x3FC2] =	sst s2  }
0x8f: {  	_ = 	snop  }
0x90: {  	s2 =	sld [smem:$0x3FD0];
	(tm) =	ssettm $0x1  }
0x91: {  	s18 =	sld [smem:$0x3FFB];
	_ =	sdelay $0x3  }
0x92: {  	_ =	strace s18  }
0x93: {  	s3 =	sld [smem:$0x3FFC];
	_ =	sdelay $0x3  }
0x94: {  	_ =	strace s3  }
0x95: {  	s3 =	sld [smem:$0x3FFD];
	_ =	sdelay $0x3  }
0x96: {  	_ =	strace s3  }
0x97: {  	_ =	strace $0x8FFFFFFF  }
0x98: {  	s19 =	sld [smem:$0x3FDB];
	_ =	sdelay $0x1  }
0x99: {  	s4 =	simm.s32 $_scs_section_size  }
0x9a: {  	s5 =	simm.s32 $_size__tile_overlayer_lowered;
	s6 =	simm.s32 $_tile_overlayer_lowered  }
0x9b: {  	s22 =	simm.s32 $0x1BFF;
	s21 =	sshll.u32 s6, $0x1;
	s3 =	sadd.s32 s4, s19  }
0x9c: {  	s7 =	simm.s32 $0x0;
	s20 =	sshll.u32 s5, $0x1;
	s5 =	sadd.s32 s21, s3  }
0x9d: {  	[timem:s7], [sflag:s22] =	dma.local [hbm:s5], s20  }
0x9e: {  	_ =	swait.ge [sflag:s22], s20  }
0x9f: {  	s4 =	ssub.s32 $0x0, s20;
	[sflag:s22] =	ssyncset.done $0x0  }
0xa0: {  	[sflag:s22] =	ssyncadd.s32 s4;
	_ =	sdelay $0x1  }
0xa1: {  	s23 =	simm.s32 $0x1B8B  }
0xa2: {  	_ =	swait.ge [sflag:s23], $0x1  }
0xa3: {  	[sflag:s23] =	ssyncset.done $0x0  }
0xa4: {  	s25 =	simm.s32 $0x1B8E;
	s24 =	sld [smem:$0x3FFE];
	[sflag:s23] =	ssyncadd.s32 $0xFFFFFFFF  }
0xa5: {  	s26 =	simm.s32 $execute0_lowered;
	[smem:$0x3FD2] =	sst s25  }
0xa6: {  	s5 =	sshll.u32 s26, $0x1;
	_ =	strace $0x80000049;
	[dreg:$0x1] =	wrdreg $0xFFFFFFFF  }
0xa7: {  	s28 =	simm.s32 $_size_execute0_lowered;
	s3 =	sadd.s32 s3, s5;
	[dreg:$0x0] =	wrdreg $0x0  }
0xa8: {  	s5 =	sshll.u32 s28, $0x1;
	[dreg:$0x2] =	wrdreg s3  }
0xa9: {  	[dreg:$0x3] =	wrdreg s5  }
0xaa: {  	[dreg:$0x4] =	wrdreg $0xC0  }
0xab: {  	_ =	task [dreg:s7], $0x5FFFF  }
0xac: {  	[dreg:$0x1] =	wrdreg $0xFFFFFFFF  }
0xad: {  	[dreg:$0x0] =	wrdreg $0x60  }
0xae: {  	[dreg:$0x2] =	wrdreg s24  }
0xaf: {  	[dreg:$0x3] =	wrdreg s2  }
0xb0: {  	[dreg:$0x4] =	wrdreg $0x83000  }
0xb1: {  	[dreg:$0x5] =	wrdreg $0x9  }
0xb2: {  	_ =	task.clear_ibuf [dreg:s7], $0x6FFFF;
	_ =	strace $0x90000049  }
0xb3: {  	s29 =	simm.s32 $0x9;
	_ =	strace $0x8000004B  }
0xb4: {  	_ =	swait.ge [sflag:s29], $0x1  }
0xb5: {  	[sflag:s29] =	ssyncadd.s32 $0xFFFFFFFF  }
0xb6: {  	_ =	strace $0x9000004B  }
0xb7: {  	_ =	sfence  }
0xb8: {  	s30 =	sld [smem:$0x0];
	_ =	sdelay $0x2  }
0xb9: {  	s31 =	sshll.u32 s1, $0xD;
	s1 =	sshrl.u32 s1, $0x2  }
0xba: {  	s3 =	sand.u32 $0x4000, s31;
	s1 =	sadd.s32 s1, s30  }
0xbb: {  	s0 =	sor.u32 s3, s0;
	s1 =	sshll.u32 s1, $0x11  }
0xbc: {  	s0 =	sor.u32 s1, s0  }
0xbd: {  	s0 =	sadd.s32 $0x8F2B, s0  }
0xbe: {  	[sflag:s0] =	ssyncadd.remote.s32 $0x1  }
0xbf: {  	_ =	sfence.sel $0xFFFF  }
0xc0: {  	[dreg:$0x0] =	wrdreg $0xFFFFFFFF;
	(pc) =	sbr.abs _section_cstart, $3  }
0xc1: {  	[dreg:$0x1] =	wrdreg $0xFFFFFFFF  }
0xc2: {  	_ =	task.clear_ibuf [dreg:s7], $0x2FFFF;
	_ =	strace $0x9FFFFFFF  }
0xc3: {  	(tm) =	ssettm $0x7FFFFFFF  }
tec
execute0_lowered:
.L_overlay_start_1:
0x0: {  	(tag) =	ssettag $0x1  }
0x1: {  	s8 =	rddreg [dreg:$0x0]  }
0x2: {  	s18 =	rddreg [dreg:$0x1]  }
0x3: {  	s1 =	rddreg [dreg:$0x2]  }
0x4: {  	s2 =	srdreg.scid;
	s3 =	simm.s32 $0x0;
	s0 =	stileid.u32  }
0x5: {  	s17 =	simm.s32 $0x200;
	s21 =	simm.s32 $0x1;
	s22 =	simm.s32 $0x300  }
0x6: {  	s23 =	simm.s32 $0x2;
	s24 =	simm.s32 $0x3;
	s7 =	smul.u32 $0x14000, s0  }
0x7: {  	s25 =	simm.s32 $0x0;
	s12 =	sand.u32 $0x1, s2;
	s15 =	smul.u32 $0x50000, s0  }
0x8: {  	[smem:$0x7FF] =	sst s3;
	s4 =	sadd.s32 $0x16200, s8;
	s16 =	smul.u32 $0x2800, s0  }
0x9: {  	s20 =	sshll.u32 s0, $0x6;
	s6 =	smul.u32 $0x140000, s12;
	s5 =	sshll.u32 s12, $0x4  }
0xa: {  	_ =	strace $0x8000004A;
	s30 =	ssub.s32 $0x2, s12;
	p0 =	seq.s32 s12, $0x1  }
0xb: {  	s9 =	sor.u32 s0, s5;
	s5 =	sadd.s32 $0x2200, s8;
	s31 =	sshrl.u32 s30, $0x1  }
0xc: {  	s15 =	sshrl.u32 s15, $0x2;
	s12 =	sadd.s32 s4, s16;
	s16 =	simm.s32 $0x80  }
0xd: {  	s10 =	sadd.s32 s7, s6;
	s6 =	smul.u32 $0x2800, s9;
	s7 =	sadd.s32 $0xC200, s8  }
0xe: {  	s14 =	ssub.s32 s30, s31;
	s19 =	sadd.s32 s15, s1;
	s15 =	simm.s32 $0x180  }
.Ltmp0:
0xf: {  	s12 =	smov.u32 @p0 s18;
	s18 =	sor.u32 $0x1C04, s20;
	(pc) =	sbr.rel .LBB2_1-.Ltmp0, $4  }
0x10: {  	s20 =	simm.s32 $0x4;
	s29 =	sshrl.u32 s10, $0x3;
	s14 =	smax.u32 s14, $0x1  }
0x11: {  	s19 =	sshrl.u32 s19, $0x3;
	s13 =	sadd.s32 s29, s8;
	s11 =	sshrl.u32 s6, $0x3  }
0x12: {  	s8 =	sadd.s32 s5, s11;
	s9 =	sadd.s32 s7, s11;
	s11 =	sor.u32 $0x10, s11  }
0x13: {  	s13 =	sadd.s32 $0x3E200, s13;
	s10 =	sadd.s32 s5, s11;
	s11 =	sadd.s32 s7, s11  }
.LBB2_5:
0x14: {  	_ =	swait.ge [sflag:s24], $0x4000  }
0x15: {  	s25 =	sadd.s32 $0x1, s25;
	[sflag:s24] =	ssyncset.done $0x0  }
0x16: {  	p0 =	sne.s32 s25, s14;
	[sflag:s24] =	ssyncadd.s32 $0xFFFFC000  }
.Ltmp1:
0x17: {  	[bflag:$0x0] =	sbarrier.arrive $0xFFFF;
	(pc) =	sbr.rel @!p0 .LBB2_6-.Ltmp1, $4  }
0x18: {  	[hbm:s13], [sflag:s18] =	dma.local [spmem:s19], $0x2800  }
0x19: {  	_ =	swait.ge [sflag:s20], $0x2800  }
0x1a: {  	[sflag:s20] =	ssyncset.done $0x0  }
0x1b: {  	[sflag:s20] =	ssyncadd.s32 $0xFFFFD800  }
.LBB2_1:
0x1c: {  	[tilespmem:s3], [sflag:$0x1] =	stream.linear.gather [hbm4b:s8+s3], $0x80, $0x38;
	[tilespmem:$0x1C300] =	vst v63  }
0x1d: {  	_ = 	snop  }
0x1e: {  	[tilespmem:s15], [sflag:$0x1] =	stream.linear.gather [hbm4b:s9+s3], $0x80, $0x38;
	[tilespmem:$0x1C300] =	vst v63  }
0x1f: {  	_ = 	snop  }
0x20: {  	[tilespmem:s16], [sflag:$0x1] =	stream.linear.gather [hbm4b:s10+s3], $0x80, $0x38;
	[tilespmem:$0x1C300] =	vst v63  }
0x21: {  	_ = 	snop  }
0x22: {  	[tilespmem:s17], [sflag:$0x1] =	stream.linear.gather [hbm4b:s11+s3], $0x80, $0x38;
	[tilespmem:$0x1C300] =	vst v63  }
0x23: {  	[spmem:s19], [sflag:s18] =	dma.local [hbm:s12], $0x2800  }
0x24: {  	_ =	swait.ge [sflag:s20], $0x2800  }
0x25: {  	[sflag:s20] =	ssyncset.done $0x0  }
0x26: {  	[sflag:s20] =	ssyncadd.s32 $0xFFFFD800  }
0x27: {  	_ =	swait.ge [sflag:s21], $0x80  }
0x28: {  	[sflag:s21] =	ssyncset.done $0x0  }
0x29: {  	[sflag:s21] =	ssyncadd.s32 $0xFFFFFF80  }
0x2a: {  	_ =	swait.ge [sflag:s21], $0x80  }
.Ltmp2:
0x2b: {  	[sflag:s21] =	ssyncset.done $0x0;
	(pc) =	sbr.rel .LBB2_2-.Ltmp2, $4  }
0x2c: {  	[sflag:s21] =	ssyncadd.s32 $0xFFFFFF80  }
0x2d: {  	[tilespmem:s22], [sflag:$0x2] =	stream.indirect.gather [hbm4b:s4+s16], $0x80, s3, s16, $0xb8;
	[tilespmem:$0x1C300] =	vst v63  }
0x2e: {  	[bflag:$0x0] =	sbarrier.arrive $0xFFFF  }
0x2f: {  	s26 =	simm.s32 $0x0  }
.LBB2_4:
0x30: {  	p0 =	sgt.u32 s26, $0x4D  }
0x31: {  	s29 =	sadd.s32 @!p0 $0x2, s26  }
0x32: {  	s30 =	smul.u32 @!p0 $0xAB, s29;
	_ =	sdelay $0x1  }
0x33: {  	s30 =	sshrl.u32 @!p0 s30, $0x9  }
0x34: {  	s2 =	smul.u32 $0xAB, s26;
	s30 =	sand.u32 @!p0 $0x7F, s30  }
0x35: {  	_ =	swait.ge [sflag:s23], $0x4000;
	s30 =	smul.u32 @!p0 $0x3, s30  }
0x36: {  	[sflag:s23] =	ssyncset.done $0x0;
	s0 =	simm.s32 @!p0 $0x0;
	s31 =	sshll.u32 @!p0 s29, $0x7  }
0x37: {  	[sflag:s23] =	ssyncadd.s32 $0xFFFFC000;
	s29 =	ssub.s32 @!p0 s29, s30;
	s30 =	sadd.s32 @!p0 s6, s31  }
0x38: {  	s2 =	sshrl.u32 s2, $0x9;
	s29 =	sand.u32 @!p0 $0xFF, s29;
	s30 =	sshrl.u32 @!p0 s30, $0x3  }
0x39: {  	s2 =	sand.u32 $0x7F, s2;
	s29 =	sshll.u32 @!p0 s29, $0x7;
	s31 =	sadd.s32 @!p0 s5, s30  }
0x3a: {  	[tilespmem:s29], [sflag:$0x1] =	stream.linear.gather @!p0 [hbm4b:s31+s0], $0x80, $0x38;
	[tilespmem:$0x1C300] =	vst v63  }
0x3b: {  	s2 =	smul.u32 $0x3, s2;
	s30 =	sadd.s32 @!p0 s7, s30;
	s29 =	sadd.s32 @!p0 $0x180, s29  }
0x3c: {  	[tilespmem:s29], [sflag:$0x1] =	stream.linear.gather @!p0 [hbm4b:s30+s0], $0x80, $0x38;
	[tilespmem:$0x1C300] =	vst v63  }
0x3d: {  	p0 =	slt.u32 s28, $0x50  }
.Ltmp3:
0x3e: {  	s30 =	ssub.s32 s26, s2;
	(pc) =	sbr.rel @!p0 .LBB2_5-.Ltmp3, $4  }
0x3f: {  	s31 =	sshll.u32 s26, $0xE;
	s0 =	sand.u32 $0xFF, s30  }
0x40: {  	s2 =	sand.u32 $0x4000, s31;
	s0 =	sshll.u32 s0, $0x7  }
0x41: {  	s26 =	smov.u32 s28;
	s2 =	sor.u32 $0x300, s2;
	s0 =	sadd.s32 $0x180, s0  }
0x42: {  	[spmem:s1] =	stream.indirect.scatter.add.f32 [tilespmem:s2], [sflag:$0x3], $0x80, s0, s16, $0xb8;
	[tilespmem:$0x1C300] =	vst v63  }
.LBB2_2:
0x43: {  	p0 =	seq.s32 s26, $0x0  }
0x44: {  	p1 =	seq.s32 @!p0 s26, $0x4F  }
0x45: {  	p1 =	por p0, !p1  }
.Ltmp4:
0x46: {  	_ = 	snop;
	(pc) =	sbr.rel @!p1 .LBB2_4-.Ltmp4, $4  }
0x47: {  	s28 =	simm.s32 @!p0 $0x3  }
0x48: {  	_ =	swait.ge @!p0 [sflag:s28], $0x4000  }
0x49: {  	[sflag:s28] =	ssyncset.done @!p0 $0x0  }
0x4a: {  	[sflag:s28] =	ssyncadd.s32 @!p0 $0xFFFFC000;
	s28 =	simm.s32 @!p0 $0x50  }
0x4b: {  	s28 =	sadd.s32 @!p0 $0x1, s26  }
0x4c: {  	s28 =	simm.s32 @p0 $0x1  }
0x4d: {  	s29 =	smul.u32 $0xAB, s28;
	_ =	sdelay $0x1  }
0x4e: {  	s29 =	sshrl.u32 s29, $0x9  }
0x4f: {  	_ =	swait.ge [sflag:s21], $0x80;
	s29 =	sand.u32 $0x7F, s29  }
0x50: {  	[sflag:s21] =	ssyncset.done $0x0;
	s29 =	smul.u32 $0x3, s29  }
.Ltmp5:
0x51: {  	[sflag:s21] =	ssyncadd.s32 $0xFFFFFF80;
	(pc) =	sbr.rel .LBB2_4-.Ltmp5, $4  }
0x52: {  	s30 =	sshll.u32 s28, $0xE;
	_ =	swait.ge [sflag:s21], $0x80;
	s29 =	ssub.s32 s28, s29  }
0x53: {  	s30 =	sand.u32 $0x4000, s30;
	[sflag:s21] =	ssyncset.done $0x0;
	s29 =	sand.u32 $0xFF, s29  }
0x54: {  	s30 =	sor.u32 $0x300, s30;
	[sflag:s21] =	ssyncadd.s32 $0xFFFFFF80;
	s29 =	sshll.u32 s29, $0x7  }
0x55: {  	[tilespmem:s30], [sflag:$0x2] =	stream.indirect.gather [hbm4b:s4+s16], $0x80, s29, s16, $0xb8;
	[tilespmem:$0x1C300] =	vst v63  }
.LBB2_6:
0x56: {  	_ =	sfence.sel $0x180000  }
0x57: {  	[bflag:$0x0] =	sbarrier.arrive $0xFFFF  }
0x58: {  	_ =	strace $0x9000004A  }
0x59: {  	s0 =	stileid.u32;
	[bflag:$0x2] =	sbarrier.arrive $0xFFFF  }
0x5a: {  	p0 =	sne.s32 s0, $0x0;
	s0 =	rddreg [dreg:$0x3]  }
0x5b: {  	s0 =	sadd.s32 @!p0 $0x100000, s0  }
0x5c: {  	[sflag:s0] =	ssyncadd.tile.s32 @!p0 $0x1;
	_ =	shalt  }
.Lfunc_end2:
_tile_overlayer_lowered:
.L_overlay_start_2:
0x5d: {  	(tag) =	ssettag $0x2  }
0x5e: {  	s0 =	rddreg [dreg:$0x0];
	s2 =	stileid.u32  }
0x5f: {  	s1 =	rddreg [dreg:$0x1];
	p0 =	sne.s32 s2, $0x0  }
0x60: {  	s3 =	rddreg [dreg:$0x2];
	[bflag:$0x3] =	sbarrier.arrive $0xFFFF;
	s2 =	simm.s32 @!p0 $0x1C04  }
0x61: {  	[timem:s3], [sflag:s2] =	dma.local @!p0 [hbm:s0], s1  }
0x62: {  	s0 =	simm.s32 @!p0 $0x4  }
0x63: {  	_ =	swait.ge @!p0 [sflag:s0], s1  }
0x64: {  	s1 =	ssub.s32 @!p0 $0x0, s1;
	[sflag:s0] =	ssyncset.done @!p0 $0x0  }
0x65: {  	[sflag:s0] =	ssyncadd.s32 @!p0 s1  }
0x66: {  	[bflag:$0x3] =	sbarrier.arrive $0xFFFF  }
0x67: {  	_ =	shalt  }

// kernel: kernel.14.cloned.1.call-start
scs
__scs_entry_jumppad:
0x0: {  	(pc) =	sbr.rel $0x88, $3  }
0x1: {  	(tag) =	ssettag $0x0;
	lr =	simm.s32 $0x1  }
0x2: {  	[smem:$0x3F9B] =	sst lr;
	_ =	strace $0xD0000000  }
0x3: {  	_ = 	snop  }
0x4: {  	_ = 	snop  }
0x5: {  	_ = 	snop  }
0x6: {  	_ = 	snop  }
0x7: {  	_ = 	snop  }
__scs_overlays_trampoline_lowered:
0x8: {  	[smem:$0x3FAA] =	sst s0  }
0x9: {  	[smem:$0x3FAB] =	sst s1  }
0xa: {  	[smem:$0x3FAC] =	sst s2  }
0xb: {  	[smem:$0x3FAD] =	sst s3  }
0xc: {  	[smem:$0x3FAE] =	sst s4  }
0xd: {  	[smem:$0x3FAF] =	sst s5  }
0xe: {  	[smem:$0x3FB0] =	sst s6  }
0xf: {  	[smem:$0x3FB1] =	sst s7  }
0x10: {  	[smem:$0x3FB2] =	sst s8  }
0x11: {  	[smem:$0x3FB3] =	sst s9;
	s0 =	simm.s32 @!p0 $0x0  }
0x12: {  	s1 =	sld [smem:$0x3F99];
	s0 =	simm.s32 @p0 $0x1  }
0x13: {  	[smem:$0x3FB4] =	sst s0;
	s0 =	simm.s32 @!p1 $0x0  }
0x14: {  	s2 =	sld [smem:$0x3F98];
	s0 =	simm.s32 @p1 $0x1  }
0x15: {  	[smem:$0x3FB5] =	sst s0;
	s0 =	simm.s32 @!p2 $0x0  }
0x16: {  	s3 =	sld [smem:$0x3FDB];
	s0 =	simm.s32 @p2 $0x1  }
0x17: {  	s4 =	simm.s32 $0x1BF5;
	[smem:$0x3FB7] =	sst s0  }
0x18: {  	s0 =	sld [smem:$0x3F9A];
	_ =	swait.ge [sflag:s4], $0x0  }
0x19: {  	s7 =	sld [smem:$0x3F9B]  }
0x1a: {  	s8 =	sadd.s32 $0xFFFFE003, lr  }
0x1b: {  	s9 =	sadd.s32 $0xFFFFFEF7, lr;
	s5 =	simm.s32 $0xFFFFFFFF;
	p2 =	slt.u32 s8, $0xFFFFF086  }
0x1c: {  	p1 =	slt.u32 s9, $0xF7A;
	s5 =	simm.s32 @!p2 $0x0  }
0x1d: {  	s5 =	simm.s32 @p1 $0x1;
	p0 =	seq.s32 s7, s2  }
0x1e: {  	s7 =	smul.u32 @!p0 $0xF7A, s2;
	p2 =	seq.s32 @!p0 s5, $0x0  }
0x1f: {  	s9 =	smul.u32 $0xF7A, s1;
	s8 =	simm.s32 @!p0 $0x1BF5;
	p2 =	por !p2, p0  }
0x20: {  	[sflag:s8] =	ssyncset.s32 @!p0 $0xFFFFF086;
	s6 =	sadd.s32 @!p0 s3, s7;
	s7 =	simm.s32 @!p0 $0x108  }
0x21: {  	s3 =	sadd.s32 s3, s9;
	s6 =	sadd.s32 @!p0 $0x88, s6;
	s7 =	simm.s32 @p2 $0x1082  }
0x22: {  	[simem:s7], [sflag:s8] =	dma.local @!p0 [hbm:s6], $0xF7A  }
0x23: {  	s9 =	sor.u32 $0xD0000000, s2;
	s6 =	simm.s32 $0x108;
	_ =	swait.ge @!p0 [sflag:s8], $0x0  }
0x24: {  	s3 =	sadd.s32 $0x88, s3;
	s6 =	simm.s32 @!p1 $0x1082;
	[sflag:s4] =	ssyncset.s32 $0xFFFFF086  }
0x25: {  	[simem:s6], [sflag:s4] =	dma.local [hbm:s3], $0xF7A  }
0x26: {  	[smem:$0x3F9B] =	sst s1;
	(tag) =	ssettag s2;
	_ =	strace s9  }
0x27: {  	s1 =	sld [smem:$0x3FAB]  }
0x28: {  	s2 =	sld [smem:$0x3FAC]  }
0x29: {  	s4 =	sld [smem:$0x3FAE]  }
0x2a: {  	p0 =	seq.s32 s5, $0x0;
	s5 =	sld [smem:$0x3FAF]  }
0x2b: {  	s6 =	sld [smem:$0x3FB0]  }
0x2c: {  	s7 =	sld [smem:$0x3FB1]  }
0x2d: {  	s3 =	simm.s32 $0x108;
	s8 =	sld [smem:$0x3FB2]  }
0x2e: {  	s3 =	simm.s32 @!p0 $0x1082;
	s9 =	sld [smem:$0x3FB3]  }
0x2f: {  	lr =	sadd.s32 s0, s3;
	s0 =	sld [smem:$0x3FAA]  }
0x30: {  	s3 =	sld [smem:$0x3FAD]  }
0x31: {  	[smem:$0x3FB6] =	sst s10  }
0x32: {  	s10 =	sld [smem:$0x3FB4];
	_ =	sdelay $0x3  }
0x33: {  	p0 =	seq.s32 s10, $0x1;
	s10 =	sld [smem:$0x3FB6];
	_ =	sdelay $0x3  }
0x34: {  	[smem:$0x3FB6] =	sst s10  }
0x35: {  	s10 =	sld [smem:$0x3FB5];
	_ =	sdelay $0x3  }
0x36: {  	p1 =	seq.s32 s10, $0x1;
	s10 =	sld [smem:$0x3FB6];
	_ =	sdelay $0x3  }
0x37: {  	[smem:$0x3FB6] =	sst s10  }
0x38: {  	s10 =	sld [smem:$0x3FB7]  }
0x39: {  	_ = 	snop;
	(pc) =	sbr.ind lr, $3  }
0x3a: {  	_ = 	snop  }
0x3b: {  	_ = 	snop  }
0x3c: {  	p2 =	seq.s32 s10, $0x1;
	s10 =	sld [smem:$0x3FB6]  }
0x3d: {  	_ =	shalt  }
0x3e: {  	_ =	shalt  }
0x3f: {  	_ =	shalt  }
0x40: {  	_ =	shalt  }
0x41: {  	_ =	shalt  }
0x42: {  	_ =	shalt  }
0x43: {  	_ =	shalt  }
0x44: {  	_ =	shalt  }
0x45: {  	_ =	shalt  }
0x46: {  	_ =	shalt  }
0x47: {  	_ =	shalt  }
0x48: {  	_ =	shalt  }
0x49: {  	_ =	shalt  }
0x4a: {  	_ =	shalt  }
0x4b: {  	_ =	shalt  }
0x4c: {  	_ =	shalt  }
0x4d: {  	_ =	shalt  }
0x4e: {  	_ =	shalt  }
0x4f: {  	_ =	shalt  }
0x50: {  	_ =	shalt  }
0x51: {  	_ =	shalt  }
0x52: {  	_ =	shalt  }
0x53: {  	_ =	shalt  }
0x54: {  	_ =	shalt  }
0x55: {  	_ =	shalt  }
0x56: {  	_ =	shalt  }
0x57: {  	_ =	shalt  }
0x58: {  	_ =	shalt  }
0x59: {  	_ =	shalt  }
0x5a: {  	_ =	shalt  }
0x5b: {  	_ =	shalt  }
0x5c: {  	_ =	shalt  }
0x5d: {  	_ =	shalt  }
0x5e: {  	_ =	shalt  }
0x5f: {  	_ =	shalt  }
0x60: {  	_ =	shalt  }
0x61: {  	_ =	shalt  }
0x62: {  	_ =	shalt  }
0x63: {  	_ =	shalt  }
0x64: {  	_ =	shalt  }
0x65: {  	_ =	shalt  }
0x66: {  	_ =	shalt  }
0x67: {  	_ =	shalt  }
0x68: {  	_ =	shalt  }
0x69: {  	_ =	shalt  }
0x6a: {  	_ =	shalt  }
0x6b: {  	_ =	shalt  }
0x6c: {  	_ =	shalt  }
0x6d: {  	_ =	shalt  }
0x6e: {  	_ =	shalt  }
0x6f: {  	_ =	shalt  }
0x70: {  	_ =	shalt  }
0x71: {  	_ =	shalt  }
0x72: {  	_ =	shalt  }
0x73: {  	_ =	shalt  }
0x74: {  	_ =	shalt  }
0x75: {  	_ =	shalt  }
0x76: {  	_ =	shalt  }
0x77: {  	_ =	shalt  }
0x78: {  	_ =	shalt  }
0x79: {  	_ =	shalt  }
0x7a: {  	_ =	shalt  }
0x7b: {  	_ =	shalt  }
0x7c: {  	_ =	shalt  }
0x7d: {  	_ =	shalt  }
0x7e: {  	_ =	shalt  }
0x7f: {  	_ =	shalt  }
0x80: {  	_ =	shalt  }
0x81: {  	_ =	shalt  }
0x82: {  	_ =	shalt  }
0x83: {  	_ =	shalt  }
0x84: {  	_ =	shalt  }
0x85: {  	_ =	shalt  }
0x86: {  	_ =	shalt  }
0x87: {  	_ =	shalt  }
.Lfunc_end0:
.L_simem_size_0:
called_computation.2_lowered:
.L_overlay_start_0:
0x88: {  	s2 =	sld [smem:$0x3FD9]  }
0x89: {  	s3 =	sld [smem:$0x3FFE];
	_ =	sdelay $0x1  }
0x8a: {  	s1 =	srdreg.scid  }
0x8b: {  	s0 =	sand.u32 $0x1, s1  }
0x8c: {  	s17 =	sshll.u32 s0, $0xA;
	s2 =	sadd.s32 s3, s2  }
0x8d: {  	s2 =	sadd.s32 s2, s17  }
0x8e: {  	[smem:$0x3FC2] =	sst s2  }
0x8f: {  	_ = 	snop  }
0x90: {  	s2 =	sld [smem:$0x3FD0];
	(tm) =	ssettm $0x1  }
0x91: {  	s18 =	sld [smem:$0x3FFB];
	_ =	sdelay $0x3  }
0x92: {  	_ =	strace s18  }
0x93: {  	s3 =	sld [smem:$0x3FFC];
	_ =	sdelay $0x3  }
0x94: {  	_ =	strace s3  }
0x95: {  	s3 =	sld [smem:$0x3FFD];
	_ =	sdelay $0x3  }
0x96: {  	_ =	strace s3  }
0x97: {  	_ =	strace $0x8FFFFFFF  }
0x98: {  	s19 =	sld [smem:$0x3FDB];
	_ =	sdelay $0x1  }
0x99: {  	s4 =	simm.s32 $_scs_section_size  }
0x9a: {  	s5 =	simm.s32 $_size__tile_overlayer_lowered;
	s6 =	simm.s32 $_tile_overlayer_lowered  }
0x9b: {  	s22 =	simm.s32 $0x1BFF;
	s21 =	sshll.u32 s6, $0x1;
	s3 =	sadd.s32 s4, s19  }
0x9c: {  	s7 =	simm.s32 $0x0;
	s20 =	sshll.u32 s5, $0x1;
	s5 =	sadd.s32 s21, s3  }
0x9d: {  	[timem:s7], [sflag:s22] =	dma.local [hbm:s5], s20  }
0x9e: {  	_ =	swait.ge [sflag:s22], s20  }
0x9f: {  	s4 =	ssub.s32 $0x0, s20;
	[sflag:s22] =	ssyncset.done $0x0  }
0xa0: {  	[sflag:s22] =	ssyncadd.s32 s4;
	_ =	sdelay $0x1  }
0xa1: {  	s23 =	simm.s32 $0x1B8B  }
0xa2: {  	_ =	swait.ge [sflag:s23], $0x1  }
0xa3: {  	[sflag:s23] =	ssyncset.done $0x0  }
0xa4: {  	s25 =	simm.s32 $0x1B8E;
	s24 =	sld [smem:$0x3FFE];
	[sflag:s23] =	ssyncadd.s32 $0xFFFFFFFF  }
0xa5: {  	s26 =	simm.s32 $execute0_lowered;
	[smem:$0x3FD2] =	sst s25  }
0xa6: {  	s5 =	sshll.u32 s26, $0x1;
	_ =	strace $0x8000004C;
	[dreg:$0x1] =	wrdreg $0xFFFFFFFF  }
0xa7: {  	s28 =	simm.s32 $_size_execute0_lowered;
	s3 =	sadd.s32 s3, s5;
	[dreg:$0x0] =	wrdreg $0x0  }
0xa8: {  	s5 =	sshll.u32 s28, $0x1;
	[dreg:$0x2] =	wrdreg s3  }
0xa9: {  	[dreg:$0x3] =	wrdreg s5  }
0xaa: {  	[dreg:$0x4] =	wrdreg $0xC0  }
0xab: {  	_ =	task [dreg:s7], $0x5FFFF  }
0xac: {  	[dreg:$0x1] =	wrdreg $0xFFFFFFFF  }
0xad: {  	[dreg:$0x0] =	wrdreg $0x60  }
0xae: {  	[dreg:$0x2] =	wrdreg s24  }
0xaf: {  	[dreg:$0x3] =	wrdreg s2  }
0xb0: {  	[dreg:$0x4] =	wrdreg $0x83000  }
0xb1: {  	[dreg:$0x5] =	wrdreg $0x9  }
0xb2: {  	_ =	task.clear_ibuf [dreg:s7], $0x6FFFF;
	_ =	strace $0x9000004C  }
0xb3: {  	s29 =	simm.s32 $0x9;
	_ =	strace $0x8000004E  }
0xb4: {  	_ =	swait.ge [sflag:s29], $0x1  }
0xb5: {  	[sflag:s29] =	ssyncadd.s32 $0xFFFFFFFF  }
0xb6: {  	_ =	strace $0x9000004E  }
0xb7: {  	_ =	sfence  }
0xb8: {  	s30 =	sld [smem:$0x0];
	_ =	sdelay $0x2  }
0xb9: {  	s31 =	sshll.u32 s1, $0xD;
	s1 =	sshrl.u32 s1, $0x2  }
0xba: {  	s3 =	sand.u32 $0x4000, s31;
	s1 =	sadd.s32 s1, s30  }
0xbb: {  	s0 =	sor.u32 s3, s0;
	s1 =	sshll.u32 s1, $0x11  }
0xbc: {  	s0 =	sor.u32 s1, s0  }
0xbd: {  	s0 =	sadd.s32 $0x8F2B, s0  }
0xbe: {  	[sflag:s0] =	ssyncadd.remote.s32 $0x1  }
0xbf: {  	_ =	sfence.sel $0xFFFF  }
0xc0: {  	[dreg:$0x0] =	wrdreg $0xFFFFFFFF;
	(pc) =	sbr.abs _section_cstart, $3  }
0xc1: {  	[dreg:$0x1] =	wrdreg $0xFFFFFFFF  }
0xc2: {  	_ =	task.clear_ibuf [dreg:s7], $0x2FFFF;
	_ =	strace $0x9FFFFFFF  }
0xc3: {  	(tm) =	ssettm $0x7FFFFFFF  }
tec
execute0_lowered:
.L_overlay_start_1:
0x0: {  	(tag) =	ssettag $0x1  }
0x1: {  	s8 =	rddreg [dreg:$0x0]  }
0x2: {  	s18 =	rddreg [dreg:$0x1]  }
0x3: {  	s1 =	rddreg [dreg:$0x2]  }
0x4: {  	s2 =	srdreg.scid;
	s3 =	simm.s32 $0x0;
	s0 =	stileid.u32  }
0x5: {  	s17 =	simm.s32 $0x200;
	s21 =	simm.s32 $0x1;
	s22 =	simm.s32 $0x300  }
0x6: {  	s23 =	simm.s32 $0x2;
	s24 =	simm.s32 $0x3;
	s7 =	smul.u32 $0x14000, s0  }
0x7: {  	s25 =	simm.s32 $0x0;
	s12 =	sand.u32 $0x1, s2;
	s15 =	smul.u32 $0x50000, s0  }
0x8: {  	[smem:$0x7FF] =	sst s3;
	s4 =	sadd.s32 $0x16200, s8;
	s16 =	smul.u32 $0x2800, s0  }
0x9: {  	s20 =	sshll.u32 s0, $0x6;
	s6 =	smul.u32 $0x140000, s12;
	s5 =	sshll.u32 s12, $0x4  }
0xa: {  	_ =	strace $0x8000004D;
	s30 =	ssub.s32 $0x2, s12;
	p0 =	seq.s32 s12, $0x1  }
0xb: {  	s9 =	sor.u32 s0, s5;
	s5 =	sadd.s32 $0x2200, s8;
	s31 =	sshrl.u32 s30, $0x1  }
0xc: {  	s15 =	sshrl.u32 s15, $0x2;
	s12 =	sadd.s32 s4, s16;
	s16 =	simm.s32 $0x80  }
0xd: {  	s10 =	sadd.s32 s7, s6;
	s6 =	smul.u32 $0x2800, s9;
	s7 =	sadd.s32 $0xC200, s8  }
0xe: {  	s14 =	ssub.s32 s30, s31;
	s19 =	sadd.s32 s15, s1;
	s15 =	simm.s32 $0x180  }
.Ltmp0:
0xf: {  	s12 =	smov.u32 @p0 s18;
	s18 =	sor.u32 $0x1C04, s20;
	(pc) =	sbr.rel .LBB2_1-.Ltmp0, $4  }
0x10: {  	s20 =	simm.s32 $0x4;
	s29 =	sshrl.u32 s10, $0x3;
	s14 =	smax.u32 s14, $0x1  }
0x11: {  	s19 =	sshrl.u32 s19, $0x3;
	s13 =	sadd.s32 s29, s8;
	s11 =	sshrl.u32 s6, $0x3  }
0x12: {  	s8 =	sadd.s32 s5, s11;
	s9 =	sadd.s32 s7, s11;
	s11 =	sor.u32 $0x10, s11  }
0x13: {  	s13 =	sadd.s32 $0x3E200, s13;
	s10 =	sadd.s32 s5, s11;
	s11 =	sadd.s32 s7, s11  }
.LBB2_5:
0x14: {  	_ =	swait.ge [sflag:s24], $0x4000  }
0x15: {  	s25 =	sadd.s32 $0x1, s25;
	[sflag:s24] =	ssyncset.done $0x0  }
0x16: {  	p0 =	sne.s32 s25, s14;
	[sflag:s24] =	ssyncadd.s32 $0xFFFFC000  }
.Ltmp1:
0x17: {  	[bflag:$0x0] =	sbarrier.arrive $0xFFFF;
	(pc) =	sbr.rel @!p0 .LBB2_6-.Ltmp1, $4  }
0x18: {  	[hbm:s13], [sflag:s18] =	dma.local [spmem:s19], $0x2800  }
0x19: {  	_ =	swait.ge [sflag:s20], $0x2800  }
0x1a: {  	[sflag:s20] =	ssyncset.done $0x0  }
0x1b: {  	[sflag:s20] =	ssyncadd.s32 $0xFFFFD800  }
.LBB2_1:
0x1c: {  	[tilespmem:s3], [sflag:$0x1] =	stream.linear.gather [hbm4b:s8+s3], $0x80, $0x38;
	[tilespmem:$0x1C300] =	vst v63  }
0x1d: {  	_ = 	snop  }
0x1e: {  	[tilespmem:s15], [sflag:$0x1] =	stream.linear.gather [hbm4b:s9+s3], $0x80, $0x38;
	[tilespmem:$0x1C300] =	vst v63  }
0x1f: {  	_ = 	snop  }
0x20: {  	[tilespmem:s16], [sflag:$0x1] =	stream.linear.gather [hbm4b:s10+s3], $0x80, $0x38;
	[tilespmem:$0x1C300] =	vst v63  }
0x21: {  	_ = 	snop  }
0x22: {  	[tilespmem:s17], [sflag:$0x1] =	stream.linear.gather [hbm4b:s11+s3], $0x80, $0x38;
	[tilespmem:$0x1C300] =	vst v63  }
0x23: {  	[spmem:s19], [sflag:s18] =	dma.local [hbm:s12], $0x2800  }
0x24: {  	_ =	swait.ge [sflag:s20], $0x2800  }
0x25: {  	[sflag:s20] =	ssyncset.done $0x0  }
0x26: {  	[sflag:s20] =	ssyncadd.s32 $0xFFFFD800  }
0x27: {  	_ =	swait.ge [sflag:s21], $0x80  }
0x28: {  	[sflag:s21] =	ssyncset.done $0x0  }
0x29: {  	[sflag:s21] =	ssyncadd.s32 $0xFFFFFF80  }
0x2a: {  	_ =	swait.ge [sflag:s21], $0x80  }
.Ltmp2:
0x2b: {  	[sflag:s21] =	ssyncset.done $0x0;
	(pc) =	sbr.rel .LBB2_2-.Ltmp2, $4  }
0x2c: {  	[sflag:s21] =	ssyncadd.s32 $0xFFFFFF80  }
0x2d: {  	[tilespmem:s22], [sflag:$0x2] =	stream.indirect.gather [hbm4b:s4+s16], $0x80, s3, s16, $0xb8;
	[tilespmem:$0x1C300] =	vst v63  }
0x2e: {  	[bflag:$0x0] =	sbarrier.arrive $0xFFFF  }
0x2f: {  	s26 =	simm.s32 $0x0  }
.LBB2_4:
0x30: {  	p0 =	sgt.u32 s26, $0x4D  }
0x31: {  	s29 =	sadd.s32 @!p0 $0x2, s26  }
0x32: {  	s30 =	smul.u32 @!p0 $0xAB, s29;
	_ =	sdelay $0x1  }
0x33: {  	s30 =	sshrl.u32 @!p0 s30, $0x9  }
0x34: {  	s2 =	smul.u32 $0xAB, s26;
	s30 =	sand.u32 @!p0 $0x7F, s30  }
0x35: {  	_ =	swait.ge [sflag:s23], $0x4000;
	s30 =	smul.u32 @!p0 $0x3, s30  }
0x36: {  	[sflag:s23] =	ssyncset.done $0x0;
	s0 =	simm.s32 @!p0 $0x0;
	s31 =	sshll.u32 @!p0 s29, $0x7  }
0x37: {  	[sflag:s23] =	ssyncadd.s32 $0xFFFFC000;
	s29 =	ssub.s32 @!p0 s29, s30;
	s30 =	sadd.s32 @!p0 s6, s31  }
0x38: {  	s2 =	sshrl.u32 s2, $0x9;
	s29 =	sand.u32 @!p0 $0xFF, s29;
	s30 =	sshrl.u32 @!p0 s30, $0x3  }
0x39: {  	s2 =	sand.u32 $0x7F, s2;
	s29 =	sshll.u32 @!p0 s29, $0x7;
	s31 =	sadd.s32 @!p0 s5, s30  }
0x3a: {  	[tilespmem:s29], [sflag:$0x1] =	stream.linear.gather @!p0 [hbm4b:s31+s0], $0x80, $0x38;
	[tilespmem:$0x1C300] =	vst v63  }
0x3b: {  	s2 =	smul.u32 $0x3, s2;
	s30 =	sadd.s32 @!p0 s7, s30;
	s29 =	sadd.s32 @!p0 $0x180, s29  }
0x3c: {  	[tilespmem:s29], [sflag:$0x1] =	stream.linear.gather @!p0 [hbm4b:s30+s0], $0x80, $0x38;
	[tilespmem:$0x1C300] =	vst v63  }
0x3d: {  	p0 =	slt.u32 s28, $0x50  }
.Ltmp3:
0x3e: {  	s30 =	ssub.s32 s26, s2;
	(pc) =	sbr.rel @!p0 .LBB2_5-.Ltmp3, $4  }
0x3f: {  	s31 =	sshll.u32 s26, $0xE;
	s0 =	sand.u32 $0xFF, s30  }
0x40: {  	s2 =	sand.u32 $0x4000, s31;
	s0 =	sshll.u32 s0, $0x7  }
0x41: {  	s26 =	smov.u32 s28;
	s2 =	sor.u32 $0x300, s2;
	s0 =	sadd.s32 $0x180, s0  }
0x42: {  	[spmem:s1] =	stream.indirect.scatter.add.f32 [tilespmem:s2], [sflag:$0x3], $0x80, s0, s16, $0xb8;
	[tilespmem:$0x1C300] =	vst v63  }
.LBB2_2:
0x43: {  	p0 =	seq.s32 s26, $0x0  }
0x44: {  	p1 =	seq.s32 @!p0 s26, $0x4F  }
0x45: {  	p1 =	por p0, !p1  }
.Ltmp4:
0x46: {  	_ = 	snop;
	(pc) =	sbr.rel @!p1 .LBB2_4-.Ltmp4, $4  }
0x47: {  	s28 =	simm.s32 @!p0 $0x3  }
0x48: {  	_ =	swait.ge @!p0 [sflag:s28], $0x4000  }
0x49: {  	[sflag:s28] =	ssyncset.done @!p0 $0x0  }
0x4a: {  	[sflag:s28] =	ssyncadd.s32 @!p0 $0xFFFFC000;
	s28 =	simm.s32 @!p0 $0x50  }
0x4b: {  	s28 =	sadd.s32 @!p0 $0x1, s26  }
0x4c: {  	s28 =	simm.s32 @p0 $0x1  }
0x4d: {  	s29 =	smul.u32 $0xAB, s28;
	_ =	sdelay $0x1  }
0x4e: {  	s29 =	sshrl.u32 s29, $0x9  }
0x4f: {  	_ =	swait.ge [sflag:s21], $0x80;
	s29 =	sand.u32 $0x7F, s29  }
0x50: {  	[sflag:s21] =	ssyncset.done $0x0;
	s29 =	smul.u32 $0x3, s29  }
.Ltmp5:
0x51: {  	[sflag:s21] =	ssyncadd.s32 $0xFFFFFF80;
	(pc) =	sbr.rel .LBB2_4-.Ltmp5, $4  }
0x52: {  	s30 =	sshll.u32 s28, $0xE;
	_ =	swait.ge [sflag:s21], $0x80;
	s29 =	ssub.s32 s28, s29  }
0x53: {  	s30 =	sand.u32 $0x4000, s30;
	[sflag:s21] =	ssyncset.done $0x0;
	s29 =	sand.u32 $0xFF, s29  }
0x54: {  	s30 =	sor.u32 $0x300, s30;
	[sflag:s21] =	ssyncadd.s32 $0xFFFFFF80;
	s29 =	sshll.u32 s29, $0x7  }
0x55: {  	[tilespmem:s30], [sflag:$0x2] =	stream.indirect.gather [hbm4b:s4+s16], $0x80, s29, s16, $0xb8;
	[tilespmem:$0x1C300] =	vst v63  }
.LBB2_6:
0x56: {  	_ =	sfence.sel $0x180000  }
0x57: {  	[bflag:$0x0] =	sbarrier.arrive $0xFFFF  }
0x58: {  	_ =	strace $0x9000004D  }
0x59: {  	s0 =	stileid.u32;
	[bflag:$0x2] =	sbarrier.arrive $0xFFFF  }
0x5a: {  	p0 =	sne.s32 s0, $0x0;
	s0 =	rddreg [dreg:$0x3]  }
0x5b: {  	s0 =	sadd.s32 @!p0 $0x100000, s0  }
0x5c: {  	[sflag:s0] =	ssyncadd.tile.s32 @!p0 $0x1;
	_ =	shalt  }
.Lfunc_end2:
_tile_overlayer_lowered:
.L_overlay_start_2:
0x5d: {  	(tag) =	ssettag $0x2  }
0x5e: {  	s0 =	rddreg [dreg:$0x0];
	s2 =	stileid.u32  }
0x5f: {  	s1 =	rddreg [dreg:$0x1];
	p0 =	sne.s32 s2, $0x0  }
0x60: {  	s3 =	rddreg [dreg:$0x2];
	[bflag:$0x3] =	sbarrier.arrive $0xFFFF;
	s2 =	simm.s32 @!p0 $0x1C04  }
0x61: {  	[timem:s3], [sflag:s2] =	dma.local @!p0 [hbm:s0], s1  }
0x62: {  	s0 =	simm.s32 @!p0 $0x4  }
0x63: {  	_ =	swait.ge @!p0 [sflag:s0], s1  }
0x64: {  	s1 =	ssub.s32 @!p0 $0x0, s1;
	[sflag:s0] =	ssyncset.done @!p0 $0x0  }
0x65: {  	[sflag:s0] =	ssyncadd.s32 @!p0 s1  }
0x66: {  	[bflag:$0x3] =	sbarrier.arrive $0xFFFF  }
0x67: {  	_ =	shalt  }

// kernel: kernel.8.cloned.1.call-start
scs
__scs_entry_jumppad:
0x0: {  	(pc) =	sbr.rel $0x88, $3  }
0x1: {  	(tag) =	ssettag $0x0;
	lr =	simm.s32 $0x1  }
0x2: {  	[smem:$0x3F9B] =	sst lr;
	_ =	strace $0xD0000000  }
0x3: {  	_ = 	snop  }
0x4: {  	_ = 	snop  }
0x5: {  	_ = 	snop  }
0x6: {  	_ = 	snop  }
0x7: {  	_ = 	snop  }
__scs_overlays_trampoline_lowered:
0x8: {  	[smem:$0x3FAA] =	sst s0  }
0x9: {  	[smem:$0x3FAB] =	sst s1  }
0xa: {  	[smem:$0x3FAC] =	sst s2  }
0xb: {  	[smem:$0x3FAD] =	sst s3  }
0xc: {  	[smem:$0x3FAE] =	sst s4  }
0xd: {  	[smem:$0x3FAF] =	sst s5  }
0xe: {  	[smem:$0x3FB0] =	sst s6  }
0xf: {  	[smem:$0x3FB1] =	sst s7  }
0x10: {  	[smem:$0x3FB2] =	sst s8  }
0x11: {  	[smem:$0x3FB3] =	sst s9;
	s0 =	simm.s32 @!p0 $0x0  }
0x12: {  	s1 =	sld [smem:$0x3F99];
	s0 =	simm.s32 @p0 $0x1  }
0x13: {  	[smem:$0x3FB4] =	sst s0;
	s0 =	simm.s32 @!p1 $0x0  }
0x14: {  	s2 =	sld [smem:$0x3F98];
	s0 =	simm.s32 @p1 $0x1  }
0x15: {  	[smem:$0x3FB5] =	sst s0;
	s0 =	simm.s32 @!p2 $0x0  }
0x16: {  	s3 =	sld [smem:$0x3FDB];
	s0 =	simm.s32 @p2 $0x1  }
0x17: {  	s4 =	simm.s32 $0x1BF5;
	[smem:$0x3FB7] =	sst s0  }
0x18: {  	s0 =	sld [smem:$0x3F9A];
	_ =	swait.ge [sflag:s4], $0x0  }
0x19: {  	s7 =	sld [smem:$0x3F9B]  }
0x1a: {  	s8 =	sadd.s32 $0xFFFFE003, lr  }
0x1b: {  	s9 =	sadd.s32 $0xFFFFFEF7, lr;
	s5 =	simm.s32 $0xFFFFFFFF;
	p2 =	slt.u32 s8, $0xFFFFF086  }
0x1c: {  	p1 =	slt.u32 s9, $0xF7A;
	s5 =	simm.s32 @!p2 $0x0  }
0x1d: {  	s5 =	simm.s32 @p1 $0x1;
	p0 =	seq.s32 s7, s2  }
0x1e: {  	s7 =	smul.u32 @!p0 $0xF7A, s2;
	p2 =	seq.s32 @!p0 s5, $0x0  }
0x1f: {  	s9 =	smul.u32 $0xF7A, s1;
	s8 =	simm.s32 @!p0 $0x1BF5;
	p2 =	por !p2, p0  }
0x20: {  	[sflag:s8] =	ssyncset.s32 @!p0 $0xFFFFF086;
	s6 =	sadd.s32 @!p0 s3, s7;
	s7 =	simm.s32 @!p0 $0x108  }
0x21: {  	s3 =	sadd.s32 s3, s9;
	s6 =	sadd.s32 @!p0 $0x88, s6;
	s7 =	simm.s32 @p2 $0x1082  }
0x22: {  	[simem:s7], [sflag:s8] =	dma.local @!p0 [hbm:s6], $0xF7A  }
0x23: {  	s9 =	sor.u32 $0xD0000000, s2;
	s6 =	simm.s32 $0x108;
	_ =	swait.ge @!p0 [sflag:s8], $0x0  }
0x24: {  	s3 =	sadd.s32 $0x88, s3;
	s6 =	simm.s32 @!p1 $0x1082;
	[sflag:s4] =	ssyncset.s32 $0xFFFFF086  }
0x25: {  	[simem:s6], [sflag:s4] =	dma.local [hbm:s3], $0xF7A  }
0x26: {  	[smem:$0x3F9B] =	sst s1;
	(tag) =	ssettag s2;
	_ =	strace s9  }
0x27: {  	s1 =	sld [smem:$0x3FAB]  }
0x28: {  	s2 =	sld [smem:$0x3FAC]  }
0x29: {  	s4 =	sld [smem:$0x3FAE]  }
0x2a: {  	p0 =	seq.s32 s5, $0x0;
	s5 =	sld [smem:$0x3FAF]  }
0x2b: {  	s6 =	sld [smem:$0x3FB0]  }
0x2c: {  	s7 =	sld [smem:$0x3FB1]  }
0x2d: {  	s3 =	simm.s32 $0x108;
	s8 =	sld [smem:$0x3FB2]  }
0x2e: {  	s3 =	simm.s32 @!p0 $0x1082;
	s9 =	sld [smem:$0x3FB3]  }
0x2f: {  	lr =	sadd.s32 s0, s3;
	s0 =	sld [smem:$0x3FAA]  }
0x30: {  	s3 =	sld [smem:$0x3FAD]  }
0x31: {  	[smem:$0x3FB6] =	sst s10  }
0x32: {  	s10 =	sld [smem:$0x3FB4];
	_ =	sdelay $0x3  }
0x33: {  	p0 =	seq.s32 s10, $0x1;
	s10 =	sld [smem:$0x3FB6];
	_ =	sdelay $0x3  }
0x34: {  	[smem:$0x3FB6] =	sst s10  }
0x35: {  	s10 =	sld [smem:$0x3FB5];
	_ =	sdelay $0x3  }
0x36: {  	p1 =	seq.s32 s10, $0x1;
	s10 =	sld [smem:$0x3FB6];
	_ =	sdelay $0x3  }
0x37: {  	[smem:$0x3FB6] =	sst s10  }
0x38: {  	s10 =	sld [smem:$0x3FB7]  }
0x39: {  	_ = 	snop;
	(pc) =	sbr.ind lr, $3  }
0x3a: {  	_ = 	snop  }
0x3b: {  	_ = 	snop  }
0x3c: {  	p2 =	seq.s32 s10, $0x1;
	s10 =	sld [smem:$0x3FB6]  }
0x3d: {  	_ =	shalt  }
0x3e: {  	_ =	shalt  }
0x3f: {  	_ =	shalt  }
0x40: {  	_ =	shalt  }
0x41: {  	_ =	shalt  }
0x42: {  	_ =	shalt  }
0x43: {  	_ =	shalt  }
0x44: {  	_ =	shalt  }
0x45: {  	_ =	shalt  }
0x46: {  	_ =	shalt  }
0x47: {  	_ =	shalt  }
0x48: {  	_ =	shalt  }
0x49: {  	_ =	shalt  }
0x4a: {  	_ =	shalt  }
0x4b: {  	_ =	shalt  }
0x4c: {  	_ =	shalt  }
0x4d: {  	_ =	shalt  }
0x4e: {  	_ =	shalt  }
0x4f: {  	_ =	shalt  }
0x50: {  	_ =	shalt  }
0x51: {  	_ =	shalt  }
0x52: {  	_ =	shalt  }
0x53: {  	_ =	shalt  }
0x54: {  	_ =	shalt  }
0x55: {  	_ =	shalt  }
0x56: {  	_ =	shalt  }
0x57: {  	_ =	shalt  }
0x58: {  	_ =	shalt  }
0x59: {  	_ =	shalt  }
0x5a: {  	_ =	shalt  }
0x5b: {  	_ =	shalt  }
0x5c: {  	_ =	shalt  }
0x5d: {  	_ =	shalt  }
0x5e: {  	_ =	shalt  }
0x5f: {  	_ =	shalt  }
0x60: {  	_ =	shalt  }
0x61: {  	_ =	shalt  }
0x62: {  	_ =	shalt  }
0x63: {  	_ =	shalt  }
0x64: {  	_ =	shalt  }
0x65: {  	_ =	shalt  }
0x66: {  	_ =	shalt  }
0x67: {  	_ =	shalt  }
0x68: {  	_ =	shalt  }
0x69: {  	_ =	shalt  }
0x6a: {  	_ =	shalt  }
0x6b: {  	_ =	shalt  }
0x6c: {  	_ =	shalt  }
0x6d: {  	_ =	shalt  }
0x6e: {  	_ =	shalt  }
0x6f: {  	_ =	shalt  }
0x70: {  	_ =	shalt  }
0x71: {  	_ =	shalt  }
0x72: {  	_ =	shalt  }
0x73: {  	_ =	shalt  }
0x74: {  	_ =	shalt  }
0x75: {  	_ =	shalt  }
0x76: {  	_ =	shalt  }
0x77: {  	_ =	shalt  }
0x78: {  	_ =	shalt  }
0x79: {  	_ =	shalt  }
0x7a: {  	_ =	shalt  }
0x7b: {  	_ =	shalt  }
0x7c: {  	_ =	shalt  }
0x7d: {  	_ =	shalt  }
0x7e: {  	_ =	shalt  }
0x7f: {  	_ =	shalt  }
0x80: {  	_ =	shalt  }
0x81: {  	_ =	shalt  }
0x82: {  	_ =	shalt  }
0x83: {  	_ =	shalt  }
0x84: {  	_ =	shalt  }
0x85: {  	_ =	shalt  }
0x86: {  	_ =	shalt  }
0x87: {  	_ =	shalt  }
.Lfunc_end0:
.L_simem_size_0:
called_computation_lowered:
.L_overlay_start_0:
0x88: {  	s2 =	sld [smem:$0x3FD9]  }
0x89: {  	s3 =	sld [smem:$0x3FFE];
	_ =	sdelay $0x1  }
0x8a: {  	s1 =	srdreg.scid  }
0x8b: {  	s0 =	sand.u32 $0x1, s1  }
0x8c: {  	s17 =	sshll.u32 s0, $0xA;
	s2 =	sadd.s32 s3, s2  }
0x8d: {  	s2 =	sadd.s32 s2, s17  }
0x8e: {  	[smem:$0x3FC2] =	sst s2  }
0x8f: {  	_ = 	snop  }
0x90: {  	s2 =	sld [smem:$0x3FD0];
	(tm) =	ssettm $0x1  }
0x91: {  	s18 =	sld [smem:$0x3FFB];
	_ =	sdelay $0x3  }
0x92: {  	_ =	strace s18  }
0x93: {  	s3 =	sld [smem:$0x3FFC];
	_ =	sdelay $0x3  }
0x94: {  	_ =	strace s3  }
0x95: {  	s3 =	sld [smem:$0x3FFD];
	_ =	sdelay $0x3  }
0x96: {  	_ =	strace s3  }
0x97: {  	_ =	strace $0x8FFFFFFF  }
0x98: {  	s19 =	sld [smem:$0x3FDB];
	_ =	sdelay $0x1  }
0x99: {  	s4 =	simm.s32 $_scs_section_size  }
0x9a: {  	s5 =	simm.s32 $_size__tile_overlayer_lowered;
	s6 =	simm.s32 $_tile_overlayer_lowered  }
0x9b: {  	s22 =	simm.s32 $0x1BFF;
	s21 =	sshll.u32 s6, $0x1;
	s3 =	sadd.s32 s4, s19  }
0x9c: {  	s7 =	simm.s32 $0x0;
	s20 =	sshll.u32 s5, $0x1;
	s5 =	sadd.s32 s21, s3  }
0x9d: {  	[timem:s7], [sflag:s22] =	dma.local [hbm:s5], s20  }
0x9e: {  	_ =	swait.ge [sflag:s22], s20  }
0x9f: {  	s4 =	ssub.s32 $0x0, s20;
	[sflag:s22] =	ssyncset.done $0x0  }
0xa0: {  	[sflag:s22] =	ssyncadd.s32 s4;
	_ =	sdelay $0x1  }
0xa1: {  	s23 =	simm.s32 $0x1B8B  }
0xa2: {  	_ =	swait.ge [sflag:s23], $0x1  }
0xa3: {  	[sflag:s23] =	ssyncset.done $0x0  }
0xa4: {  	s25 =	simm.s32 $0x1B8E;
	s24 =	sld [smem:$0x3FFE];
	[sflag:s23] =	ssyncadd.s32 $0xFFFFFFFF  }
0xa5: {  	s26 =	simm.s32 $execute0_lowered;
	[smem:$0x3FD2] =	sst s25  }
0xa6: {  	s5 =	sshll.u32 s26, $0x1;
	_ =	strace $0x80000046;
	[dreg:$0x1] =	wrdreg $0xFFFFFFFF  }
0xa7: {  	s28 =	simm.s32 $_size_execute0_lowered;
	s3 =	sadd.s32 s3, s5;
	[dreg:$0x0] =	wrdreg $0x0  }
0xa8: {  	s5 =	sshll.u32 s28, $0x1;
	[dreg:$0x2] =	wrdreg s3  }
0xa9: {  	[dreg:$0x3] =	wrdreg s5  }
0xaa: {  	[dreg:$0x4] =	wrdreg $0xC0  }
0xab: {  	_ =	task [dreg:s7], $0x5FFFF  }
0xac: {  	[dreg:$0x1] =	wrdreg $0xFFFFFFFF  }
0xad: {  	[dreg:$0x0] =	wrdreg $0x60  }
0xae: {  	[dreg:$0x2] =	wrdreg s24  }
0xaf: {  	[dreg:$0x3] =	wrdreg s2  }
0xb0: {  	[dreg:$0x4] =	wrdreg $0x18800  }
0xb1: {  	[dreg:$0x5] =	wrdreg $0x9  }
0xb2: {  	_ =	task.clear_ibuf [dreg:s7], $0x6FFFF;
	_ =	strace $0x90000046  }
0xb3: {  	s29 =	simm.s32 $0x9;
	_ =	strace $0x80000048  }
0xb4: {  	_ =	swait.ge [sflag:s29], $0x1  }
0xb5: {  	[sflag:s29] =	ssyncadd.s32 $0xFFFFFFFF  }
0xb6: {  	_ =	strace $0x90000048  }
0xb7: {  	_ =	sfence  }
0xb8: {  	s30 =	sld [smem:$0x0];
	_ =	sdelay $0x2  }
0xb9: {  	s31 =	sshll.u32 s1, $0xD;
	s1 =	sshrl.u32 s1, $0x2  }
0xba: {  	s3 =	sand.u32 $0x4000, s31;
	s1 =	sadd.s32 s1, s30  }
0xbb: {  	s0 =	sor.u32 s3, s0;
	s1 =	sshll.u32 s1, $0x11  }
0xbc: {  	s0 =	sor.u32 s1, s0  }
0xbd: {  	s0 =	sadd.s32 $0x8F2B, s0  }
0xbe: {  	[sflag:s0] =	ssyncadd.remote.s32 $0x1  }
0xbf: {  	_ =	sfence.sel $0xFFFF  }
0xc0: {  	[dreg:$0x0] =	wrdreg $0xFFFFFFFF;
	(pc) =	sbr.abs _section_cstart, $3  }
0xc1: {  	[dreg:$0x1] =	wrdreg $0xFFFFFFFF  }
0xc2: {  	_ =	task.clear_ibuf [dreg:s7], $0x2FFFF;
	_ =	strace $0x9FFFFFFF  }
0xc3: {  	(tm) =	ssettm $0x7FFFFFFF  }
tec
execute0_lowered:
.L_overlay_start_1:
0x0: {  	(tag) =	ssettag $0x1  }
0x1: {  	s5 =	rddreg [dreg:$0x0]  }
0x2: {  	s10 =	rddreg [dreg:$0x1]  }
0x3: {  	s2 =	rddreg [dreg:$0x2]  }
0x4: {  	s0 =	rddreg [dreg:$0x3]  }
0x5: {  	s3 =	simm.s32 $0x0;
	s1 =	stileid.u32;
	s4 =	srdreg.scid  }
0x6: {  	s16 =	simm.s32 $0x800;
	s17 =	simm.s32 $0x1;
	s18 =	simm.s32 $0x80  }
0x7: {  	s19 =	simm.s32 $0x2;
	s20 =	simm.s32 $0x20;
	s21 =	simm.s32 $0x10  }
0x8: {  	s22 =	simm.s32 $0x0;
	[smem:$0x7FF] =	sst s3;
	s6 =	smul.u32 $0x280, s1  }
0x9: {  	s7 =	sand.u32 $0x1, s4;
	s4 =	sadd.s32 $0xC200, s5;
	s13 =	smul.u32 $0x500, s1  }
0xa: {  	s14 =	sshll.u32 s1, $0x6;
	_ =	strace $0x80000047;
	s8 =	sshll.u32 s7, $0x4  }
0xb: {  	s11 =	ssub.s32 $0x2, s7;
	s7 =	sshll.u32 s7, $0x7;
	s14 =	sor.u32 $0x1C03, s14  }
0xc: {  	s9 =	sshrl.u32 s6, $0x3;
	s8 =	sor.u32 s1, s8;
	s30 =	sshrl.u32 s11, $0x1  }
0xd: {  	s15 =	sadd.s32 s6, s2;
	s13 =	sor.u32 s7, s13;
	s12 =	smul.u32 $0x2800, s8  }
.Ltmp0:
0xe: {  	s9 =	sadd.s32 s9, s5;
	s5 =	sadd.s32 $0x16800, s5;
	(pc) =	sbr.rel .LBB2_1-.Ltmp0, $4  }
0xf: {  	s11 =	ssub.s32 s11, s30;
	s13 =	sshrl.u32 s13, $0x3;
	s15 =	sshrl.u32 s15, $0x3  }
0x10: {  	s7 =	sadd.s32 $0x16200, s9;
	s10 =	sadd.s32 s10, s13;
	s31 =	sshrl.u32 s12, $0x3  }
0x11: {  	s11 =	smax.u32 s11, $0x1;
	s13 =	simm.s32 $0x3;
	s6 =	sadd.s32 s4, s31  }
0x12: {  	s9 =	sadd.s32 $0x1000, s12;
	s12 =	simm.s32 $0x1800;
	s8 =	sadd.s32 $0x100, s6  }
.LBB2_5:
0x13: {  	_ =	swait.ge [sflag:s19], $0x80  }
0x14: {  	[sflag:s19] =	ssyncset.done $0x0  }
0x15: {  	[sflag:s19] =	ssyncadd.s32 $0xFFFFFF80  }
0x16: {  	_ =	swait.ge [sflag:s19], $0x80  }
0x17: {  	[sflag:s19] =	ssyncset.done $0x0  }
0x18: {  	[sflag:s19] =	ssyncadd.s32 $0xFFFFFF80  }
0x19: {  	_ =	swait.ge [sflag:s19], $0x80  }
0x1a: {  	[sflag:s19] =	ssyncset.done $0x0  }
0x1b: {  	[sflag:s19] =	ssyncadd.s32 $0xFFFFFF80  }
0x1c: {  	_ =	swait.ge [sflag:s19], $0x80  }
0x1d: {  	[sflag:s19] =	ssyncset.done $0x0  }
0x1e: {  	[sflag:s19] =	ssyncadd.s32 $0xFFFFFF80  }
0x1f: {  	_ =	swait.ge [sflag:s19], $0x80  }
0x20: {  	[sflag:s19] =	ssyncset.done $0x0  }
0x21: {  	[sflag:s19] =	ssyncadd.s32 $0xFFFFFF80  }
0x22: {  	_ =	swait.ge [sflag:s19], $0x80  }
0x23: {  	[sflag:s19] =	ssyncset.done $0x0  }
0x24: {  	[sflag:s19] =	ssyncadd.s32 $0xFFFFFF80  }
0x25: {  	_ =	swait.ge [sflag:s19], $0x80  }
0x26: {  	[sflag:s19] =	ssyncset.done $0x0  }
0x27: {  	[sflag:s19] =	ssyncadd.s32 $0xFFFFFF80  }
0x28: {  	_ =	swait.ge [sflag:s19], $0x80  }
0x29: {  	[sflag:s19] =	ssyncset.done $0x0  }
0x2a: {  	[sflag:s19] =	ssyncadd.s32 $0xFFFFFF80  }
0x2b: {  	_ =	swait.ge [sflag:s19], $0x80  }
0x2c: {  	[sflag:s19] =	ssyncset.done $0x0  }
0x2d: {  	[sflag:s19] =	ssyncadd.s32 $0xFFFFFF80  }
0x2e: {  	_ =	swait.ge [sflag:s19], $0x80  }
0x2f: {  	[sflag:s19] =	ssyncset.done $0x0  }
0x30: {  	[sflag:s19] =	ssyncadd.s32 $0xFFFFFF80  }
0x31: {  	_ =	swait.ge [sflag:s19], $0x80  }
0x32: {  	[sflag:s19] =	ssyncset.done $0x0  }
0x33: {  	[sflag:s19] =	ssyncadd.s32 $0xFFFFFF80  }
0x34: {  	_ =	swait.ge [sflag:s19], $0x80  }
0x35: {  	[sflag:s19] =	ssyncset.done $0x0  }
0x36: {  	[sflag:s19] =	ssyncadd.s32 $0xFFFFFF80  }
0x37: {  	_ =	swait.ge [sflag:s19], $0x80  }
0x38: {  	[sflag:s19] =	ssyncset.done $0x0  }
0x39: {  	[sflag:s19] =	ssyncadd.s32 $0xFFFFFF80  }
0x3a: {  	_ =	swait.ge [sflag:s19], $0x80  }
0x3b: {  	[sflag:s19] =	ssyncset.done $0x0  }
0x3c: {  	[sflag:s19] =	ssyncadd.s32 $0xFFFFFF80  }
0x3d: {  	_ =	swait.ge [sflag:s19], $0x80  }
0x3e: {  	[sflag:s19] =	ssyncset.done $0x0  }
0x3f: {  	[sflag:s19] =	ssyncadd.s32 $0xFFFFFF80  }
0x40: {  	_ =	swait.ge [sflag:s19], $0x80  }
0x41: {  	s22 =	sadd.s32 $0x1, s22;
	[sflag:s19] =	ssyncset.done $0x0  }
0x42: {  	p0 =	sne.s32 s22, s11;
	[sflag:s19] =	ssyncadd.s32 $0xFFFFFF80  }
.Ltmp1:
0x43: {  	[bflag:$0x0] =	sbarrier.arrive $0xFFFF;
	(pc) =	sbr.rel @!p0 .LBB2_6-.Ltmp1, $4  }
0x44: {  	[hbm:s10@s20], [sflag:s14] =	dma.strided [spmem:s15@s21], $0x50, s17, $0x10   }
0x45: {  	_ =	swait.ge [sflag:s13], $0x50  }
0x46: {  	[sflag:s13] =	ssyncset.done $0x0  }
0x47: {  	[sflag:s13] =	ssyncadd.s32 $0xFFFFFFB0  }
.LBB2_1:
0x48: {  	[tilespmem:s12], [sflag:$0x3] =	stream.linear.gather [hbm4b:s5+s3], $0x80, $0x38;
	[tilespmem:$0x1B00] =	vst v63  }
0x49: {  	_ =	swait.ge [sflag:s13], $0x80  }
0x4a: {  	[sflag:s13] =	ssyncset.done $0x0  }
0x4b: {  	[sflag:s13] =	ssyncadd.s32 $0xFFFFFF80  }
0x4c: {  	[spmem:s15], [sflag:s14] =	dma.local [hbm:s7], $0x50  }
0x4d: {  	_ =	swait.ge [sflag:s13], $0x50  }
0x4e: {  	[sflag:s13] =	ssyncset.done $0x0  }
0x4f: {  	[sflag:s13] =	ssyncadd.s32 $0xFFFFFFB0  }
0x50: {  	[bflag:$0x0] =	sbarrier.arrive $0xFFFF  }
0x51: {  	[tilespmem:s3], [sflag:$0x1] =	stream.linear.gather [hbm4b:s6+s3], $0x800, $0x38;
	[tilespmem:$0x1B00] =	vst v63  }
.Ltmp2:
0x52: {  	_ = 	snop;
	(pc) =	sbr.rel .LBB2_2-.Ltmp2, $4  }
0x53: {  	[tilespmem:s16], [sflag:$0x1] =	stream.linear.gather [hbm4b:s8+s3], $0x800, $0x38;
	[tilespmem:$0x1B00] =	vst v63  }
0x54: {  	_ =	swait.ge [sflag:s17], $0x800  }
0x55: {  	[sflag:s17] =	ssyncset.done $0x0  }
0x56: {  	s23 =	simm.s32 $0x0;
	[sflag:s17] =	ssyncadd.s32 $0xFFFFF800  }
.LBB2_4:
0x57: {  	s25 =	sshll.u32 s23, $0xB  }
0x58: {  	p0 =	slt.u32 s23, $0x3;
	s23 =	sadd.s32 $0xFFFFE800, s25  }
0x59: {  	s23 =	smov.u32 @p0 s25  }
0x5a: {  	[spmem:s2] =	stream.indirect.scatter.add.f32 [tilespmem:s12], [sflag:$0x2], $0x1, s23, s18, $0xb8;
	[tilespmem:$0x1B00] =	vst v63  }
0x5b: {  	s25 =	sor.u32 $0x80, s23  }
0x5c: {  	[spmem:s2] =	stream.indirect.scatter.add.f32 [tilespmem:s12], [sflag:$0x2], $0x1, s25, s18, $0xb8;
	[tilespmem:$0x1B00] =	vst v63  }
0x5d: {  	s29 =	sor.u32 $0x100, s23  }
0x5e: {  	[spmem:s2] =	stream.indirect.scatter.add.f32 [tilespmem:s12], [sflag:$0x2], $0x1, s29, s18, $0xb8;
	[tilespmem:$0x1B00] =	vst v63  }
0x5f: {  	s30 =	sor.u32 $0x180, s23  }
0x60: {  	[spmem:s2] =	stream.indirect.scatter.add.f32 [tilespmem:s12], [sflag:$0x2], $0x1, s30, s18, $0xb8;
	[tilespmem:$0x1B00] =	vst v63  }
0x61: {  	s31 =	sor.u32 $0x200, s23  }
0x62: {  	[spmem:s2] =	stream.indirect.scatter.add.f32 [tilespmem:s12], [sflag:$0x2], $0x1, s31, s18, $0xb8;
	[tilespmem:$0x1B00] =	vst v63  }
0x63: {  	s26 =	sor.u32 $0x280, s23  }
0x64: {  	[spmem:s2] =	stream.indirect.scatter.add.f32 [tilespmem:s12], [sflag:$0x2], $0x1, s26, s18, $0xb8;
	[tilespmem:$0x1B00] =	vst v63  }
0x65: {  	s28 =	sor.u32 $0x300, s23  }
0x66: {  	[spmem:s2] =	stream.indirect.scatter.add.f32 [tilespmem:s12], [sflag:$0x2], $0x1, s28, s18, $0xb8;
	[tilespmem:$0x1B00] =	vst v63  }
0x67: {  	s29 =	sor.u32 $0x380, s23  }
0x68: {  	[spmem:s2] =	stream.indirect.scatter.add.f32 [tilespmem:s12], [sflag:$0x2], $0x1, s29, s18, $0xb8;
	[tilespmem:$0x1B00] =	vst v63  }
0x69: {  	s30 =	sor.u32 $0x400, s23  }
0x6a: {  	[spmem:s2] =	stream.indirect.scatter.add.f32 [tilespmem:s12], [sflag:$0x2], $0x1, s30, s18, $0xb8;
	[tilespmem:$0x1B00] =	vst v63  }
0x6b: {  	s31 =	sor.u32 $0x480, s23  }
0x6c: {  	[spmem:s2] =	stream.indirect.scatter.add.f32 [tilespmem:s12], [sflag:$0x2], $0x1, s31, s18, $0xb8;
	[tilespmem:$0x1B00] =	vst v63  }
0x6d: {  	s26 =	sor.u32 $0x500, s23  }
0x6e: {  	[spmem:s2] =	stream.indirect.scatter.add.f32 [tilespmem:s12], [sflag:$0x2], $0x1, s26, s18, $0xb8;
	[tilespmem:$0x1B00] =	vst v63  }
0x6f: {  	s28 =	sor.u32 $0x580, s23  }
0x70: {  	[spmem:s2] =	stream.indirect.scatter.add.f32 [tilespmem:s12], [sflag:$0x2], $0x1, s28, s18, $0xb8;
	[tilespmem:$0x1B00] =	vst v63  }
0x71: {  	s29 =	sor.u32 $0x600, s23  }
0x72: {  	[spmem:s2] =	stream.indirect.scatter.add.f32 [tilespmem:s12], [sflag:$0x2], $0x1, s29, s18, $0xb8;
	[tilespmem:$0x1B00] =	vst v63  }
0x73: {  	p0 =	slt.u32 s24, $0x5;
	s30 =	sor.u32 $0x680, s23  }
0x74: {  	[spmem:s2] =	stream.indirect.scatter.add.f32 [tilespmem:s12], [sflag:$0x2], $0x1, s30, s18, $0xb8;
	[tilespmem:$0x1B00] =	vst v63  }
.Ltmp3:
0x75: {  	s31 =	sor.u32 $0x700, s23;
	(pc) =	sbr.rel @!p0 .LBB2_5-.Ltmp3, $4  }
0x76: {  	[spmem:s2] =	stream.indirect.scatter.add.f32 [tilespmem:s12], [sflag:$0x2], $0x1, s31, s18, $0xb8;
	[tilespmem:$0x1B00] =	vst v63  }
0x77: {  	s23 =	sor.u32 $0x780, s23  }
0x78: {  	[spmem:s2] =	stream.indirect.scatter.add.f32 [tilespmem:s12], [sflag:$0x2], $0x1, s23, s18, $0xb8;
	[tilespmem:$0x1B00] =	vst v63  }
0x79: {  	s23 =	smov.u32 s24  }
.LBB2_2:
0x7a: {  	p0 =	seq.s32 s23, $0x0  }
0x7b: {  	s24 =	simm.s32 @!p0 $0x2  }
0x7c: {  	_ =	swait.ge @!p0 [sflag:s24], $0x80  }
0x7d: {  	[sflag:s24] =	ssyncset.done @!p0 $0x0  }
0x7e: {  	[sflag:s24] =	ssyncadd.s32 @!p0 $0xFFFFFF80  }
0x7f: {  	_ =	swait.ge @!p0 [sflag:s24], $0x80  }
0x80: {  	[sflag:s24] =	ssyncset.done @!p0 $0x0  }
0x81: {  	[sflag:s24] =	ssyncadd.s32 @!p0 $0xFFFFFF80  }
0x82: {  	_ =	swait.ge @!p0 [sflag:s24], $0x80  }
0x83: {  	[sflag:s24] =	ssyncset.done @!p0 $0x0  }
0x84: {  	[sflag:s24] =	ssyncadd.s32 @!p0 $0xFFFFFF80  }
0x85: {  	_ =	swait.ge @!p0 [sflag:s24], $0x80  }
0x86: {  	[sflag:s24] =	ssyncset.done @!p0 $0x0  }
0x87: {  	[sflag:s24] =	ssyncadd.s32 @!p0 $0xFFFFFF80  }
0x88: {  	_ =	swait.ge @!p0 [sflag:s24], $0x80  }
0x89: {  	[sflag:s24] =	ssyncset.done @!p0 $0x0  }
0x8a: {  	[sflag:s24] =	ssyncadd.s32 @!p0 $0xFFFFFF80  }
0x8b: {  	_ =	swait.ge @!p0 [sflag:s24], $0x80  }
0x8c: {  	[sflag:s24] =	ssyncset.done @!p0 $0x0  }
0x8d: {  	[sflag:s24] =	ssyncadd.s32 @!p0 $0xFFFFFF80  }
0x8e: {  	_ =	swait.ge @!p0 [sflag:s24], $0x80  }
0x8f: {  	[sflag:s24] =	ssyncset.done @!p0 $0x0  }
0x90: {  	[sflag:s24] =	ssyncadd.s32 @!p0 $0xFFFFFF80  }
0x91: {  	_ =	swait.ge @!p0 [sflag:s24], $0x80  }
0x92: {  	[sflag:s24] =	ssyncset.done @!p0 $0x0  }
0x93: {  	[sflag:s24] =	ssyncadd.s32 @!p0 $0xFFFFFF80  }
0x94: {  	_ =	swait.ge @!p0 [sflag:s24], $0x80  }
0x95: {  	[sflag:s24] =	ssyncset.done @!p0 $0x0  }
0x96: {  	[sflag:s24] =	ssyncadd.s32 @!p0 $0xFFFFFF80  }
0x97: {  	_ =	swait.ge @!p0 [sflag:s24], $0x80  }
0x98: {  	[sflag:s24] =	ssyncset.done @!p0 $0x0  }
0x99: {  	[sflag:s24] =	ssyncadd.s32 @!p0 $0xFFFFFF80  }
0x9a: {  	_ =	swait.ge @!p0 [sflag:s24], $0x80  }
0x9b: {  	[sflag:s24] =	ssyncset.done @!p0 $0x0  }
0x9c: {  	[sflag:s24] =	ssyncadd.s32 @!p0 $0xFFFFFF80  }
0x9d: {  	_ =	swait.ge @!p0 [sflag:s24], $0x80  }
0x9e: {  	[sflag:s24] =	ssyncset.done @!p0 $0x0  }
0x9f: {  	[sflag:s24] =	ssyncadd.s32 @!p0 $0xFFFFFF80  }
0xa0: {  	_ =	swait.ge @!p0 [sflag:s24], $0x80  }
0xa1: {  	[sflag:s24] =	ssyncset.done @!p0 $0x0  }
0xa2: {  	[sflag:s24] =	ssyncadd.s32 @!p0 $0xFFFFFF80  }
0xa3: {  	_ =	swait.ge @!p0 [sflag:s24], $0x80  }
0xa4: {  	[sflag:s24] =	ssyncset.done @!p0 $0x0  }
0xa5: {  	p1 =	seq.s32 @!p0 s23, $0x4;
	[sflag:s24] =	ssyncadd.s32 @!p0 $0xFFFFFF80  }
0xa6: {  	p1 =	por p0, !p1;
	_ =	swait.ge @!p0 [sflag:s24], $0x80  }
.Ltmp4:
0xa7: {  	[sflag:s24] =	ssyncset.done @!p0 $0x0;
	(pc) =	sbr.rel @!p1 .LBB2_4-.Ltmp4, $4  }
0xa8: {  	[sflag:s24] =	ssyncadd.s32 @!p0 $0xFFFFFF80  }
0xa9: {  	_ =	swait.ge @!p0 [sflag:s24], $0x80  }
0xaa: {  	[sflag:s24] =	ssyncset.done @!p0 $0x0  }
0xab: {  	[sflag:s24] =	ssyncadd.s32 @!p0 $0xFFFFFF80;
	s24 =	simm.s32 @!p0 $0x5  }
0xac: {  	_ =	swait.ge [sflag:s17], $0x800;
	p1 =	sgt.u32 s23, $0x2  }
0xad: {  	[sflag:s17] =	ssyncset.done $0x0;
	p2 =	seq.s32 @!p1 s23, $0x0  }
0xae: {  	s24 =	sshll.u32 @!p1 s23, $0xD;
	s25 =	sshll.u32 @!p1 s23, $0xB;
	s26 =	simm.s32 @!p1 $0x0  }
0xaf: {  	s24 =	sadd.s32 @!p1 $0xFFFFE000, s24;
	p2 =	por !p2, p1;
	s25 =	sadd.s32 @!p1 s25, s9  }
.Ltmp5:
0xb0: {  	s24 =	simm.s32 @!p2 $0x4000;
	s25 =	sshrl.u32 @!p1 s25, $0x3;
	(pc) =	sbr.rel .LBB2_4-.Ltmp5, $4  }
0xb1: {  	[sflag:s17] =	ssyncadd.s32 $0xFFFFF800;
	s24 =	sshra.s32 @!p1 s24, $0x2;
	s25 =	sadd.s32 @!p1 s4, s25  }
0xb2: {  	[tilespmem:s24], [sflag:$0x1] =	stream.linear.gather @!p1 [hbm4b:s25+s26], $0x800, $0x38;
	[tilespmem:$0x1B00] =	vst v63  }
0xb3: {  	s24 =	sadd.s32 @!p0 $0x1, s23  }
0xb4: {  	s24 =	simm.s32 @p0 $0x1  }
.LBB2_6:
0xb5: {  	_ =	sfence.sel $0x180000  }
0xb6: {  	[bflag:$0x0] =	sbarrier.arrive $0xFFFF  }
0xb7: {  	p0 =	sne.s32 s1, $0x0;
	_ =	strace $0x90000047  }
0xb8: {  	s0 =	sadd.s32 @!p0 $0x100000, s0;
	[bflag:$0x2] =	sbarrier.arrive $0xFFFF  }
0xb9: {  	[sflag:s0] =	ssyncadd.tile.s32 @!p0 $0x1;
	_ =	shalt  }
.Lfunc_end2:
_tile_overlayer_lowered:
.L_overlay_start_2:
0xba: {  	(tag) =	ssettag $0x2  }
0xbb: {  	s0 =	rddreg [dreg:$0x0];
	s2 =	stileid.u32  }
0xbc: {  	s1 =	rddreg [dreg:$0x1];
	p0 =	sne.s32 s2, $0x0  }
0xbd: {  	s3 =	rddreg [dreg:$0x2];
	[bflag:$0x3] =	sbarrier.arrive $0xFFFF;
	s2 =	simm.s32 @!p0 $0x1C03  }
0xbe: {  	[timem:s3], [sflag:s2] =	dma.local @!p0 [hbm:s0], s1  }
0xbf: {  	s0 =	simm.s32 @!p0 $0x3  }
0xc0: {  	_ =	swait.ge @!p0 [sflag:s0], s1  }
0xc1: {  	s1 =	ssub.s32 @!p0 $0x0, s1;
	[sflag:s0] =	ssyncset.done @!p0 $0x0  }
0xc2: {  	[sflag:s0] =	ssyncadd.s32 @!p0 s1  }
0xc3: {  	[bflag:$0x3] =	sbarrier.arrive $0xFFFF  }
0xc4: {  	_ =	shalt  }

</sc_bundles>
